<compile_context>
chip_gen: v7x
topology: tpu7x:2x2x1
jax: 0.10.2.dev20260603
libtpu: 0.0.44.dev20260713+nightly
codegen_flags: <defaults>
</compile_context>

<pallas_src>
import functools

import jax
import jax.numpy as jnp
from jax import lax
from jax.experimental import pallas as pl
from jax.experimental.pallas import tpu as pltpu
from jax.experimental.pallas import tpu_sc as plsc

S = 64.0
M = 0.4
_MS = M * S

_B = 1024
_V = 100000

_SC_ROWS = 320
_TC_ROWS = _B - _SC_ROWS

_BLOCK_COLS = 2048


def _cosface_block(labels_ref, logits_ref, out_ref):
    pid = pl.program_id(0)
    block = logits_ref[...]
    rows, cols = block.shape
    col_ids = jax.lax.broadcasted_iota(jnp.int32, (rows, cols), 1) + pid * cols
    mask = col_ids == labels_ref[...]
    out_ref[...] = block * S - jnp.where(mask, M * S, 0.0)


def _tc_call(logits, labels2d):
    grid = (pl.cdiv(_V, _BLOCK_COLS),)
    return pl.pallas_call(
        _cosface_block,
        grid=grid,
        in_specs=[
            pl.BlockSpec((_TC_ROWS, 1), lambda i: (0, 0)),
            pl.BlockSpec((_TC_ROWS, _BLOCK_COLS), lambda i: (0, i)),
        ],
        out_specs=pl.BlockSpec((_TC_ROWS, _BLOCK_COLS), lambda i: (0, i)),
        out_shape=jax.ShapeDtypeStruct((_B, _V), logits.dtype),
    )(labels2d, logits)


_NW = 32
_ROWS_PER_W = _SC_ROWS // _NW
_CHUNK = 20000
_CHUNKS_PER_ROW = _V // _CHUNK
_VECS = _CHUNK // 16
_T = _ROWS_PER_W * _CHUNKS_PER_ROW
_NB = 2
_G = _T // _NB


def _sc_body(logits_hbm, labels_hbm, out_hbm, in_bufs, out_bufs, labels_v,
             in_sems, out_sems):
    cid = lax.axis_index("c")
    sid = lax.axis_index("s")
    wid = sid * 2 + cid
    r0 = _TC_ROWS + wid * _ROWS_PER_W
    base = r0 * _V
    obase = wid * _ROWS_PER_W * _V

    lstart = (r0 // 8) * 8
    lshift = r0 - lstart
    pltpu.sync_copy(labels_hbm.at[pl.ds(lstart, _ROWS_PER_W + 14)],
                    labels_v.at[pl.ds(0, _ROWS_PER_W + 14)])

    def in_copy(t, b):
        return pltpu.make_async_copy(
            logits_hbm.at[pl.ds(base + t * _CHUNK, _CHUNK)],
            in_bufs[b], in_sems[b])

    def out_copy(t, b):
        return pltpu.make_async_copy(
            out_bufs[b], out_hbm.at[pl.ds(obase + t * _CHUNK, _CHUNK)],
            out_sems[b])

    for b in range(_NB):
        in_copy(b, b).start()

    def outer(g, carry):
        for b in range(_NB):
            t = g * _NB + b
            in_copy(t, b).wait()

            @pl.when(g > 0)
            def _drain():
                out_copy(t - _NB, b).wait()

            src = in_bufs[b]
            dst = out_bufs[b]

            def vec_step(i, c):
                dst[pl.ds(i * 16, 16)] = src[pl.ds(i * 16, 16)] * S
                return c

            lax.fori_loop(0, _VECS, vec_step, 0, unroll=8)

            r = t // _CHUNKS_PER_ROW
            c0 = (t - r * _CHUNKS_PER_ROW) * _CHUNK
            lab = labels_v[pl.ds(lshift + r, 16)][0]
            col = lab - c0

            @pl.when(jnp.logical_and(col >= 0, col < _CHUNK))
            def _fix():
                vbase = (col // 16) * 16
                lane = col - vbase
                iota = lax.iota(jnp.int32, 16)
                vec = dst[pl.ds(vbase, 16)]
                dst[pl.ds(vbase, 16)] = vec - jnp.where(iota == lane, _MS, 0.0)

            out_copy(t, b).start()

            @pl.when(g < _G - 1)
            def _prefetch():
                in_copy(t + _NB, b).start()

        return carry

    lax.fori_loop(0, _G, outer, 0)

    for b in range(_NB):
        out_copy(_T - _NB + b, b).wait()


def _sc_call(flat_logits, labels32):
    mesh = plsc.VectorSubcoreMesh(core_axis_name="c", subcore_axis_name="s")
    run = pl.kernel(
        _sc_body,
        out_type=jax.ShapeDtypeStruct((_SC_ROWS * _V,), jnp.float32),
        mesh=mesh,
        scratch_types=[
            [pltpu.VMEM((_CHUNK,), jnp.float32) for _ in range(_NB)],
            [pltpu.VMEM((_CHUNK,), jnp.float32) for _ in range(_NB)],
            pltpu.VMEM((_ROWS_PER_W + 14 + 16,), jnp.int32),
            [pltpu.SemaphoreType.DMA for _ in range(_NB)],
            [pltpu.SemaphoreType.DMA for _ in range(_NB)],
        ],
    )
    return run(flat_logits, labels32)


@jax.jit
def kernel(logits, labels):
    B, V = logits.shape
    labels32 = labels.astype(jnp.int32)
    labels2d = labels32.reshape(B, 1)
    flat = logits.reshape(B * V)
    sc_out = _sc_call(flat, labels32).reshape(_SC_ROWS, _V)
    tc_out = _tc_call(logits, labels2d)
    return lax.dynamic_update_slice(tc_out, sc_out, (_TC_ROWS, 0))

# --- scband reference (transcript-rebuilt; emitter-appended) ---
"""Pipeline reference for scband-cos-face-40355512713520 (READ-ONLY COPY).

The authoritative reference and input builder live on the scoring server;
editing this copy changes nothing except your own understanding.
"""

import jax, jax.numpy as jnp
import numpy as np

S = 64.0
M = 0.4

def setup_inputs(seed: int = 0) -> dict:
    key = jax.random.key(seed)
    k1, k2 = jax.random.split(key)
    logits = jax.random.normal(k1, (1024, 100000), dtype=jnp.float32)
    labels = jax.random.randint(k2, (1024,), 0, 100000, dtype=jnp.int64)
    return {"logits": logits, "labels": labels}

def reference(logits, labels):
    B = logits.shape[0]
    one_hot = jnp.zeros_like(logits).at[jnp.arange(B), labels].set(1.0)
    phi = logits - M
    output = jnp.where(one_hot == 1, phi, logits)
    output = output * S
    return output

if __name__ == "__main__":
    import jax
    _d = setup_inputs()
    print(jax.jit(kernel)(*tuple(_d.values())))

</pallas_src>

<mosaic_0001>
#map = affine_map<(d0, d1) -> (0)>
module attributes {stable_mosaic.version = 14 : i64} {
  func.func @_sc_body(%arg0: i32, %arg1: i32, %arg2: memref<102400000xf32, #tpu.memory_space<hbm>>, %arg3: memref<1024xi32, #tpu.memory_space<hbm>>, %arg4: memref<32000000xf32, #tpu.memory_space<hbm>>, %arg5: memref<20000xf32, #tpu.memory_space<vmem>>, %arg6: memref<20000xf32, #tpu.memory_space<vmem>>, %arg7: memref<20000xf32, #tpu.memory_space<vmem>>, %arg8: memref<20000xf32, #tpu.memory_space<vmem>>, %arg9: memref<40xi32, #tpu.memory_space<vmem>>, %arg10: memref<!tpu.dma_semaphore, #tpu.memory_space<semaphore_mem>>, %arg11: memref<!tpu.dma_semaphore, #tpu.memory_space<semaphore_mem>>, %arg12: memref<!tpu.dma_semaphore, #tpu.memory_space<semaphore_mem>>, %arg13: memref<!tpu.dma_semaphore, #tpu.memory_space<semaphore_mem>>) attributes {dimension_semantics = [#tpu.dimension_semantics<core_parallel>, #tpu.dimension_semantics<subcore_parallel>], iteration_bounds = array<i64: 2, 16>, scalar_prefetch = 0 : i64, scratch_operands = 9 : i64, tpu.core_type = #tpu.core_type<sc_vector_subcore>, window_params = [{transform_indices = #map}, {transform_indices = #map}, {transform_indices = #map}]} {
    %mul3A = arith.constant 2 : i32
    %mul3A_0 = arith.muli %arg1, %mul3A : i32
    %add3A = arith.addi %mul3A_0, %arg0 : i32
    %mul3A_1 = arith.constant 10 : i32
    %mul3A_2 = arith.muli %add3A, %mul3A_1 : i32
    %add3A_3 = arith.constant 704 : i32
    %add3A_4 = arith.addi %add3A_3, %mul3A_2 : i32
    %mul3A_5 = arith.constant 100000 : i32
    %mul3A_6 = arith.muli %add3A_4, %mul3A_5 : i32
    %mul3A_7 = arith.constant 10 : i32
    %mul3A_8 = arith.muli %add3A, %mul3A_7 : i32
    %mul3A_9 = arith.constant 100000 : i32
    %mul3A_10 = arith.muli %mul3A_8, %mul3A_9 : i32
    %jit3A = arith.constant 8 : i32
    %div3A = arith.divsi %add3A_4, %jit3A : i32
    %sign3A = arith.constant 0 : i32
    %sign3A_11 = arith.cmpi sgt, %add3A_4, %sign3A : i32
    %sign3A_12 = arith.extui %sign3A_11 : i1 to i32
    %sign3A_13 = arith.constant 0 : i32
    %sign3A_14 = arith.cmpi slt, %add3A_4, %sign3A_13 : i32
    %sign3A_15 = arith.extui %sign3A_14 : i1 to i32
    %sign3A_16 = arith.subi %sign3A_12, %sign3A_15 : i32
    %sign3A_17 = arith.constant 0 : i32
    %sign3A_18 = arith.cmpi sgt, %jit3A, %sign3A_17 : i32
    %sign3A_19 = arith.extui %sign3A_18 : i1 to i32
    %sign3A_20 = arith.constant 0 : i32
    %sign3A_21 = arith.cmpi slt, %jit3A, %sign3A_20 : i32
    %sign3A_22 = arith.extui %sign3A_21 : i1 to i32
    %sign3A_23 = arith.subi %sign3A_19, %sign3A_22 : i32
    %ne3A = arith.cmpi ne, %sign3A_16, %sign3A_23 : i32
    %rem3A = arith.remsi %add3A_4, %jit3A : i32
    %ne3A_24 = arith.constant 0 : i32
    %ne3A_25 = arith.cmpi ne, %rem3A, %ne3A_24 : i32
    %and3A = arith.andi %ne3A, %ne3A_25 : i1
    %sub3A = arith.constant 1 : i32
    %sub3A_26 = arith.subi %div3A, %sub3A : i32
    %select_n3A = arith.select %and3A, %sub3A_26, %div3A : i32
    %mul3A_27 = arith.constant 8 : i32
    %mul3A_28 = arith.muli %select_n3A, %mul3A_27 : i32
    %sub3A_29 = arith.subi %add3A_4, %mul3A_28 : i32
    "tpu.region"() ({
      %run_scoped3A = tpu.sem_alloc : memref<!tpu.dma_semaphore, #tpu.memory_space<semaphore_mem>>
      %dma_start3A_49 = arith.constant 0 : i32
      %dma_start3A_50 = tpu.memref_slice %arg9[%dma_start3A_49] : memref<40xi32, #tpu.memory_space<vmem>> -> memref<24xi32, #tpu.memory_space<vmem>>
      %dma_start3A_51 = tpu.memref_slice %arg3[%mul3A_28] : memref<1024xi32, #tpu.memory_space<hbm>> -> memref<24xi32, #tpu.memory_space<hbm>>
      %dma_start3A_52 = arith.constant 0 : i32
      %dma_start3A_53 = tpu.memref_slice %arg9[%dma_start3A_52] : memref<40xi32, #tpu.memory_space<vmem>> -> memref<24xi32, #tpu.memory_space<vmem>>
      %dma_start3A_54 = tpu.memref_slice %arg3[%mul3A_28] : memref<1024xi32, #tpu.memory_space<hbm>> -> memref<24xi32, #tpu.memory_space<hbm>>
      tpu.enqueue_dma source(%dma_start3A_54 : memref<24xi32, #tpu.memory_space<hbm>>) target(%dma_start3A_53 : memref<24xi32, #tpu.memory_space<vmem>>) target_semaphore(%run_scoped3A : memref<!tpu.dma_semaphore, #tpu.memory_space<semaphore_mem>>)
      %dma_wait3A_55 = arith.constant 0 : i32
      %dma_wait3A_56 = tpu.memref_slice %arg9[%dma_wait3A_55] : memref<40xi32, #tpu.memory_space<vmem>> -> memref<24xi32, #tpu.memory_space<vmem>>
      %dma_wait3A_57 = tpu.memref_slice %arg3[%mul3A_28] : memref<1024xi32, #tpu.memory_space<hbm>> -> memref<24xi32, #tpu.memory_space<hbm>>
      %dma_wait3A_58 = arith.constant 0 : i32
      %dma_wait3A_59 = tpu.memref_slice %arg9[%dma_wait3A_58] : memref<40xi32, #tpu.memory_space<vmem>> -> memref<24xi32, #tpu.memory_space<vmem>>
      %dma_wait3A_60 = tpu.memref_slice %arg3[%mul3A_28] : memref<1024xi32, #tpu.memory_space<hbm>> -> memref<24xi32, #tpu.memory_space<hbm>>
      tpu.wait_dma2 semaphore(%run_scoped3A : memref<!tpu.dma_semaphore, #tpu.memory_space<semaphore_mem>>) src(%dma_wait3A_60 : memref<24xi32, #tpu.memory_space<hbm>>) dst(%dma_wait3A_59 : memref<24xi32, #tpu.memory_space<vmem>>)
      tpu.yield
    }) : () -> ()
    %add3A_30 = arith.constant 0 : i32
    %add3A_31 = arith.addi %mul3A_6, %add3A_30 : i32
    %dma_start3A = tpu.memref_slice %arg2[%add3A_31] : memref<102400000xf32, #tpu.memory_space<hbm>> -> memref<20000xf32, #tpu.memory_space<hbm>>
    %dma_start3A_32 = tpu.memref_slice %arg2[%add3A_31] : memref<102400000xf32, #tpu.memory_space<hbm>> -> memref<20000xf32, #tpu.memory_space<hbm>>
    tpu.enqueue_dma source(%dma_start3A_32 : memref<20000xf32, #tpu.memory_space<hbm>>) target(%arg5 : memref<20000xf32, #tpu.memory_space<vmem>>) target_semaphore(%arg10 : memref<!tpu.dma_semaphore, #tpu.memory_space<semaphore_mem>>)
    %add3A_33 = arith.constant 20000 : i32
    %add3A_34 = arith.addi %mul3A_6, %add3A_33 : i32
    %dma_start3A_35 = tpu.memref_slice %arg2[%add3A_34] : memref<102400000xf32, #tpu.memory_space<hbm>> -> memref<20000xf32, #tpu.memory_space<hbm>>
    %dma_start3A_36 = tpu.memref_slice %arg2[%add3A_34] : memref<102400000xf32, #tpu.memory_space<hbm>> -> memref<20000xf32, #tpu.memory_space<hbm>>
    tpu.enqueue_dma source(%dma_start3A_36 : memref<20000xf32, #tpu.memory_space<hbm>>) target(%arg6 : memref<20000xf32, #tpu.memory_space<vmem>>) target_semaphore(%arg11 : memref<!tpu.dma_semaphore, #tpu.memory_space<semaphore_mem>>)
    %scan3A = arith.constant 0 : i32
    %scan3A_37 = arith.constant 0 : i32
    %scan3A_38 = arith.constant 25 : i32
    %scan3A_39 = arith.addi %scan3A_37, %scan3A_38 : i32
    %scan3A_40 = arith.constant 1 : i32
    scf.for %scan3A_49 = %scan3A_37 to %scan3A_39 step %scan3A_40  : i32 {
      %mul3A_50 = arith.constant 2 : i32
      %mul3A_51 = arith.muli %scan3A_49, %mul3A_50 : i32
      %add3A_52 = arith.constant 0 : i32
      %add3A_53 = arith.addi %mul3A_51, %add3A_52 : i32
      %mul3A_54 = arith.constant 20000 : i32
      %mul3A_55 = arith.muli %add3A_53, %mul3A_54 : i32
      %add3A_56 = arith.addi %mul3A_6, %mul3A_55 : i32
      %dma_wait3A_57 = tpu.memref_slice %arg2[%add3A_56] : memref<102400000xf32, #tpu.memory_space<hbm>> -> memref<20000xf32, #tpu.memory_space<hbm>>
      %dma_wait3A_58 = tpu.memref_slice %arg2[%add3A_56] : memref<102400000xf32, #tpu.memory_space<hbm>> -> memref<20000xf32, #tpu.memory_space<hbm>>
      tpu.wait_dma2 semaphore(%arg10 : memref<!tpu.dma_semaphore, #tpu.memory_space<semaphore_mem>>) src(%dma_wait3A_58 : memref<20000xf32, #tpu.memory_space<hbm>>) dst(%arg5 : memref<20000xf32, #tpu.memory_space<vmem>>)
      %gt3A = arith.constant 0 : i32
      %gt3A_59 = arith.cmpi sgt, %scan3A_49, %gt3A : i32
      %convert_element_type3A = arith.extui %gt3A_59 : i1 to i32
      %cond3A = arith.constant 0 : i32
      %cond3A_60 = arith.cmpi ne, %convert_element_type3A, %cond3A : i32
      scf.if %cond3A_60 {
        %sub3A_253 = arith.constant 2 : i32
        %sub3A_254 = arith.subi %add3A_53, %sub3A_253 : i32
        %mul3A_255 = arith.constant 20000 : i32
        %mul3A_256 = arith.muli %sub3A_254, %mul3A_255 : i32
        %add3A_257 = arith.addi %mul3A_10, %mul3A_256 : i32
        %dma_wait3A_258 = tpu.memref_slice %arg4[%add3A_257] : memref<32000000xf32, #tpu.memory_space<hbm>> -> memref<20000xf32, #tpu.memory_space<hbm>>
        %dma_wait3A_259 = tpu.memref_slice %arg4[%add3A_257] : memref<32000000xf32, #tpu.memory_space<hbm>> -> memref<20000xf32, #tpu.memory_space<hbm>>
        tpu.wait_dma2 semaphore(%arg12 : memref<!tpu.dma_semaphore, #tpu.memory_space<semaphore_mem>>) src(%arg7 : memref<20000xf32, #tpu.memory_space<vmem>>) dst(%dma_wait3A_259 : memref<20000xf32, #tpu.memory_space<hbm>>)
      } else {
      }
      %scan3A_61 = arith.constant 0 : i32
      %scan3A_62 = arith.constant 0 : i32
      %scan3A_63 = arith.constant 1248 : i32
      %scan3A_64 = arith.addi %scan3A_62, %scan3A_63 : i32
      %scan3A_65 = arith.constant 8 : i32
      scf.for %scan3A_253 = %scan3A_62 to %scan3A_64 step %scan3A_65  : i32 {
        %mul3A_254 = arith.constant 16 : i32
        %mul3A_255 = arith.muli %scan3A_253, %mul3A_254 : i32
        %get3A_256 = arith.index_cast %mul3A_255 : i32 to index
        %get3A_257 = tpu.vector_load %arg5[%get3A_256] {strides = array<i32>} : memref<20000xf32, #tpu.memory_space<vmem>>, vector<16xf32>,
        %get3A_258 = vector.shape_cast %get3A_257 : vector<16xf32> to vector<16xf32>
        %mul3A_259 = arith.constant 6.400000e+01 : f32
        %mul3A_260 = vector.broadcast %mul3A_259 : f32 to vector<16xf32>
        %mul3A_261 = arith.mulf %get3A_258, %mul3A_260 : vector<16xf32>
        %mul3A_262 = arith.constant 16 : i32
        %mul3A_263 = arith.muli %scan3A_253, %mul3A_262 : i32
        %swap3A_264 = arith.index_cast %mul3A_263 : i32 to index
        %swap3A_265 = tpu.vector_load %arg7[%swap3A_264] {strides = array<i32>} : memref<20000xf32, #tpu.memory_space<vmem>>, vector<16xf32>,
        %swap3A_266 = vector.shape_cast %swap3A_265 : vector<16xf32> to vector<16xf32>
        %swap3A_267 = vector.shape_cast %mul3A_261 : vector<16xf32> to vector<16xf32>
        tpu.vector_store %arg7[%swap3A_264], %swap3A_267 {strides = array<i32>} : memref<20000xf32, #tpu.memory_space<vmem>>, vector<16xf32>,
        %scan3A_268 = arith.constant 1 : i32
        %scan3A_269 = arith.addi %scan3A_253, %scan3A_268 : i32
        %mul3A_270 = arith.constant 16 : i32
        %mul3A_271 = arith.muli %scan3A_269, %mul3A_270 : i32
        %get3A_272 = arith.index_cast %mul3A_271 : i32 to index
        %get3A_273 = tpu.vector_load %arg5[%get3A_272] {strides = array<i32>} : memref<20000xf32, #tpu.memory_space<vmem>>, vector<16xf32>,
        %get3A_274 = vector.shape_cast %get3A_273 : vector<16xf32> to vector<16xf32>
        %mul3A_275 = arith.constant 6.400000e+01 : f32
        %mul3A_276 = vector.broadcast %mul3A_275 : f32 to vector<16xf32>
        %mul3A_277 = arith.mulf %get3A_274, %mul3A_276 : vector<16xf32>
        %mul3A_278 = arith.constant 16 : i32
        %mul3A_279 = arith.muli %scan3A_269, %mul3A_278 : i32
        %swap3A_280 = arith.index_cast %mul3A_279 : i32 to index
        %swap3A_281 = tpu.vector_load %arg7[%swap3A_280] {strides = array<i32>} : memref<20000xf32, #tpu.memory_space<vmem>>, vector<16xf32>,
        %swap3A_282 = vector.shape_cast %swap3A_281 : vector<16xf32> to vector<16xf32>
        %swap3A_283 = vector.shape_cast %mul3A_277 : vector<16xf32> to vector<16xf32>
        tpu.vector_store %arg7[%swap3A_280], %swap3A_283 {strides = array<i32>} : memref<20000xf32, #tpu.memory_space<vmem>>, vector<16xf32>,
        %scan3A_284 = arith.constant 2 : i32
        %scan3A_285 = arith.addi %scan3A_253, %scan3A_284 : i32
        %mul3A_286 = arith.constant 16 : i32
        %mul3A_287 = arith.muli %scan3A_285, %mul3A_286 : i32
        %get3A_288 = arith.index_cast %mul3A_287 : i32 to index
        %get3A_289 = tpu.vector_load %arg5[%get3A_288] {strides = array<i32>} : memref<20000xf32, #tpu.memory_space<vmem>>, vector<16xf32>,
        %get3A_290 = vector.shape_cast %get3A_289 : vector<16xf32> to vector<16xf32>
        %mul3A_291 = arith.constant 6.400000e+01 : f32
        %mul3A_292 = vector.broadcast %mul3A_291 : f32 to vector<16xf32>
        %mul3A_293 = arith.mulf %get3A_290, %mul3A_292 : vector<16xf32>
        %mul3A_294 = arith.constant 16 : i32
        %mul3A_295 = arith.muli %scan3A_285, %mul3A_294 : i32
        %swap3A_296 = arith.index_cast %mul3A_295 : i32 to index
        %swap3A_297 = tpu.vector_load %arg7[%swap3A_296] {strides = array<i32>} : memref<20000xf32, #tpu.memory_space<vmem>>, vector<16xf32>,
        %swap3A_298 = vector.shape_cast %swap3A_297 : vector<16xf32> to vector<16xf32>
        %swap3A_299 = vector.shape_cast %mul3A_293 : vector<16xf32> to vector<16xf32>
        tpu.vector_store %arg7[%swap3A_296], %swap3A_299 {strides = array<i32>} : memref<20000xf32, #tpu.memory_space<vmem>>, vector<16xf32>,
        %scan3A_300 = arith.constant 3 : i32
        %scan3A_301 = arith.addi %scan3A_253, %scan3A_300 : i32
        %mul3A_302 = arith.constant 16 : i32
        %mul3A_303 = arith.muli %scan3A_301, %mul3A_302 : i32
        %get3A_304 = arith.index_cast %mul3A_303 : i32 to index
        %get3A_305 = tpu.vector_load %arg5[%get3A_304] {strides = array<i32>} : memref<20000xf32, #tpu.memory_space<vmem>>, vector<16xf32>,
        %get3A_306 = vector.shape_cast %get3A_305 : vector<16xf32> to vector<16xf32>
        %mul3A_307 = arith.constant 6.400000e+01 : f32
        %mul3A_308 = vector.broadcast %mul3A_307 : f32 to vector<16xf32>
        %mul3A_309 = arith.mulf %get3A_306, %mul3A_308 : vector<16xf32>
        %mul3A_310 = arith.constant 16 : i32
        %mul3A_311 = arith.muli %scan3A_301, %mul3A_310 : i32
        %swap3A_312 = arith.index_cast %mul3A_311 : i32 to index
        %swap3A_313 = tpu.vector_load %arg7[%swap3A_312] {strides = array<i32>} : memref<20000xf32, #tpu.memory_space<vmem>>, vector<16xf32>,
        %swap3A_314 = vector.shape_cast %swap3A_313 : vector<16xf32> to vector<16xf32>
        %swap3A_315 = vector.shape_cast %mul3A_309 : vector<16xf32> to vector<16xf32>
        tpu.vector_store %arg7[%swap3A_312], %swap3A_315 {strides = array<i32>} : memref<20000xf32, #tpu.memory_space<vmem>>, vector<16xf32>,
        %scan3A_316 = arith.constant 4 : i32
        %scan3A_317 = arith.addi %scan3A_253, %scan3A_316 : i32
        %mul3A_318 = arith.constant 16 : i32
        %mul3A_319 = arith.muli %scan3A_317, %mul3A_318 : i32
        %get3A_320 = arith.index_cast %mul3A_319 : i32 to index
        %get3A_321 = tpu.vector_load %arg5[%get3A_320] {strides = array<i32>} : memref<20000xf32, #tpu.memory_space<vmem>>, vector<16xf32>,
        %get3A_322 = vector.shape_cast %get3A_321 : vector<16xf32> to vector<16xf32>
        %mul3A_323 = arith.constant 6.400000e+01 : f32
        %mul3A_324 = vector.broadcast %mul3A_323 : f32 to vector<16xf32>
        %mul3A_325 = arith.mulf %get3A_322, %mul3A_324 : vector<16xf32>
        %mul3A_326 = arith.constant 16 : i32
        %mul3A_327 = arith.muli %scan3A_317, %mul3A_326 : i32
        %swap3A_328 = arith.index_cast %mul3A_327 : i32 to index
        %swap3A_329 = tpu.vector_load %arg7[%swap3A_328] {strides = array<i32>} : memref<20000xf32, #tpu.memory_space<vmem>>, vector<16xf32>,
        %swap3A_330 = vector.shape_cast %swap3A_329 : vector<16xf32> to vector<16xf32>
        %swap3A_331 = vector.shape_cast %mul3A_325 : vector<16xf32> to vector<16xf32>
        tpu.vector_store %arg7[%swap3A_328], %swap3A_331 {strides = array<i32>} : memref<20000xf32, #tpu.memory_space<vmem>>, vector<16xf32>,
        %scan3A_332 = arith.constant 5 : i32
        %scan3A_333 = arith.addi %scan3A_253, %scan3A_332 : i32
        %mul3A_334 = arith.constant 16 : i32
        %mul3A_335 = arith.muli %scan3A_333, %mul3A_334 : i32
        %get3A_336 = arith.index_cast %mul3A_335 : i32 to index
        %get3A_337 = tpu.vector_load %arg5[%get3A_336] {strides = array<i32>} : memref<20000xf32, #tpu.memory_space<vmem>>, vector<16xf32>,
        %get3A_338 = vector.shape_cast %get3A_337 : vector<16xf32> to vector<16xf32>
        %mul3A_339 = arith.constant 6.400000e+01 : f32
        %mul3A_340 = vector.broadcast %mul3A_339 : f32 to vector<16xf32>
        %mul3A_341 = arith.mulf %get3A_338, %mul3A_340 : vector<16xf32>
        %mul3A_342 = arith.constant 16 : i32
        %mul3A_343 = arith.muli %scan3A_333, %mul3A_342 : i32
        %swap3A_344 = arith.index_cast %mul3A_343 : i32 to index
        %swap3A_345 = tpu.vector_load %arg7[%swap3A_344] {strides = array<i32>} : memref<20000xf32, #tpu.memory_space<vmem>>, vector<16xf32>,
        %swap3A_346 = vector.shape_cast %swap3A_345 : vector<16xf32> to vector<16xf32>
        %swap3A_347 = vector.shape_cast %mul3A_341 : vector<16xf32> to vector<16xf32>
        tpu.vector_store %arg7[%swap3A_344], %swap3A_347 {strides = array<i32>} : memref<20000xf32, #tpu.memory_space<vmem>>, vector<16xf32>,
        %scan3A_348 = arith.constant 6 : i32
        %scan3A_349 = arith.addi %scan3A_253, %scan3A_348 : i32
        %mul3A_350 = arith.constant 16 : i32
        %mul3A_351 = arith.muli %scan3A_349, %mul3A_350 : i32
        %get3A_352 = arith.index_cast %mul3A_351 : i32 to index
        %get3A_353 = tpu.vector_load %arg5[%get3A_352] {strides = array<i32>} : memref<20000xf32, #tpu.memory_space<vmem>>, vector<16xf32>,
        %get3A_354 = vector.shape_cast %get3A_353 : vector<16xf32> to vector<16xf32>
        %mul3A_355 = arith.constant 6.400000e+01 : f32
        %mul3A_356 = vector.broadcast %mul3A_355 : f32 to vector<16xf32>
        %mul3A_357 = arith.mulf %get3A_354, %mul3A_356 : vector<16xf32>
        %mul3A_358 = arith.constant 16 : i32
        %mul3A_359 = arith.muli %scan3A_349, %mul3A_358 : i32
        %swap3A_360 = arith.index_cast %mul3A_359 : i32 to index
        %swap3A_361 = tpu.vector_load %arg7[%swap3A_360] {strides = array<i32>} : memref<20000xf32, #tpu.memory_space<vmem>>, vector<16xf32>,
        %swap3A_362 = vector.shape_cast %swap3A_361 : vector<16xf32> to vector<16xf32>
        %swap3A_363 = vector.shape_cast %mul3A_357 : vector<16xf32> to vector<16xf32>
        tpu.vector_store %arg7[%swap3A_360], %swap3A_363 {strides = array<i32>} : memref<20000xf32, #tpu.memory_space<vmem>>, vector<16xf32>,
        %scan3A_364 = arith.constant 7 : i32
        %scan3A_365 = arith.addi %scan3A_253, %scan3A_364 : i32
        %mul3A_366 = arith.constant 16 : i32
        %mul3A_367 = arith.muli %scan3A_365, %mul3A_366 : i32
        %get3A_368 = arith.index_cast %mul3A_367 : i32 to index
        %get3A_369 = tpu.vector_load %arg5[%get3A_368] {strides = array<i32>} : memref<20000xf32, #tpu.memory_space<vmem>>, vector<16xf32>,
        %get3A_370 = vector.shape_cast %get3A_369 : vector<16xf32> to vector<16xf32>
        %mul3A_371 = arith.constant 6.400000e+01 : f32
        %mul3A_372 = vector.broadcast %mul3A_371 : f32 to vector<16xf32>
        %mul3A_373 = arith.mulf %get3A_370, %mul3A_372 : vector<16xf32>
        %mul3A_374 = arith.constant 16 : i32
        %mul3A_375 = arith.muli %scan3A_365, %mul3A_374 : i32
        %swap3A_376 = arith.index_cast %mul3A_375 : i32 to index
        %swap3A_377 = tpu.vector_load %arg7[%swap3A_376] {strides = array<i32>} : memref<20000xf32, #tpu.memory_space<vmem>>, vector<16xf32>,
        %swap3A_378 = vector.shape_cast %swap3A_377 : vector<16xf32> to vector<16xf32>
        %swap3A_379 = vector.shape_cast %mul3A_373 : vector<16xf32> to vector<16xf32>
        tpu.vector_store %arg7[%swap3A_376], %swap3A_379 {strides = array<i32>} : memref<20000xf32, #tpu.memory_space<vmem>>, vector<16xf32>,
      }
      %scan3A_66 = arith.constant 1248 : i32
      %scan3A_67 = arith.addi %scan3A_62, %scan3A_66 : i32
      %mul3A_68 = arith.constant 16 : i32
      %mul3A_69 = arith.muli %scan3A_67, %mul3A_68 : i32
      %get3A = arith.index_cast %mul3A_69 : i32 to index
      %get3A_70 = tpu.vector_load %arg5[%get3A] {strides = array<i32>} : memref<20000xf32, #tpu.memory_space<vmem>>, vector<16xf32>,
      %get3A_71 = vector.shape_cast %get3A_70 : vector<16xf32> to vector<16xf32>
      %mul3A_72 = arith.constant 6.400000e+01 : f32
      %mul3A_73 = vector.broadcast %mul3A_72 : f32 to vector<16xf32>
      %mul3A_74 = arith.mulf %get3A_71, %mul3A_73 : vector<16xf32>
      %mul3A_75 = arith.constant 16 : i32
      %mul3A_76 = arith.muli %scan3A_67, %mul3A_75 : i32
      %swap3A = arith.index_cast %mul3A_76 : i32 to index
      %swap3A_77 = tpu.vector_load %arg7[%swap3A] {strides = array<i32>} : memref<20000xf32, #tpu.memory_space<vmem>>, vector<16xf32>,
      %swap3A_78 = vector.shape_cast %swap3A_77 : vector<16xf32> to vector<16xf32>
      %swap3A_79 = vector.shape_cast %mul3A_74 : vector<16xf32> to vector<16xf32>
      tpu.vector_store %arg7[%swap3A], %swap3A_79 {strides = array<i32>} : memref<20000xf32, #tpu.memory_space<vmem>>, vector<16xf32>,
      %scan3A_80 = arith.constant 1249 : i32
      %scan3A_81 = arith.addi %scan3A_62, %scan3A_80 : i32
      %mul3A_82 = arith.constant 16 : i32
      %mul3A_83 = arith.muli %scan3A_81, %mul3A_82 : i32
      %get3A_84 = arith.index_cast %mul3A_83 : i32 to index
      %get3A_85 = tpu.vector_load %arg5[%get3A_84] {strides = array<i32>} : memref<20000xf32, #tpu.memory_space<vmem>>, vector<16xf32>,
      %get3A_86 = vector.shape_cast %get3A_85 : vector<16xf32> to vector<16xf32>
      %mul3A_87 = arith.constant 6.400000e+01 : f32
      %mul3A_88 = vector.broadcast %mul3A_87 : f32 to vector<16xf32>
      %mul3A_89 = arith.mulf %get3A_86, %mul3A_88 : vector<16xf32>
      %mul3A_90 = arith.constant 16 : i32
      %mul3A_91 = arith.muli %scan3A_81, %mul3A_90 : i32
      %swap3A_92 = arith.index_cast %mul3A_91 : i32 to index
      %swap3A_93 = tpu.vector_load %arg7[%swap3A_92] {strides = array<i32>} : memref<20000xf32, #tpu.memory_space<vmem>>, vector<16xf32>,
      %swap3A_94 = vector.shape_cast %swap3A_93 : vector<16xf32> to vector<16xf32>
      %swap3A_95 = vector.shape_cast %mul3A_89 : vector<16xf32> to vector<16xf32>
      tpu.vector_store %arg7[%swap3A_92], %swap3A_95 {strides = array<i32>} : memref<20000xf32, #tpu.memory_space<vmem>>, vector<16xf32>,
      %scan3A_96 = arith.constant 1250 : i32
      %jit3A_97 = arith.constant 5 : i32
      %div3A_98 = arith.divsi %add3A_53, %jit3A_97 : i32
      %sign3A_99 = arith.constant 0 : i32
      %sign3A_100 = arith.cmpi sgt, %add3A_53, %sign3A_99 : i32
      %sign3A_101 = arith.extui %sign3A_100 : i1 to i32
      %sign3A_102 = arith.constant 0 : i32
      %sign3A_103 = arith.cmpi slt, %add3A_53, %sign3A_102 : i32
      %sign3A_104 = arith.extui %sign3A_103 : i1 to i32
      %sign3A_105 = arith.subi %sign3A_101, %sign3A_104 : i32
      %sign3A_106 = arith.constant 0 : i32
      %sign3A_107 = arith.cmpi sgt, %jit3A_97, %sign3A_106 : i32
      %sign3A_108 = arith.extui %sign3A_107 : i1 to i32
      %sign3A_109 = arith.constant 0 : i32
      %sign3A_110 = arith.cmpi slt, %jit3A_97, %sign3A_109 : i32
      %sign3A_111 = arith.extui %sign3A_110 : i1 to i32
      %sign3A_112 = arith.subi %sign3A_108, %sign3A_111 : i32
      %ne3A_113 = arith.cmpi ne, %sign3A_105, %sign3A_112 : i32
      %rem3A_114 = arith.remsi %add3A_53, %jit3A_97 : i32
      %ne3A_115 = arith.constant 0 : i32
      %ne3A_116 = arith.cmpi ne, %rem3A_114, %ne3A_115 : i32
      %and3A_117 = arith.andi %ne3A_113, %ne3A_116 : i1
      %sub3A_118 = arith.constant 1 : i32
      %sub3A_119 = arith.subi %div3A_98, %sub3A_118 : i32
      %select_n3A_120 = arith.select %and3A_117, %sub3A_119, %div3A_98 : i32
      %mul3A_121 = arith.constant 5 : i32
      %mul3A_122 = arith.muli %select_n3A_120, %mul3A_121 : i32
      %sub3A_123 = arith.subi %add3A_53, %mul3A_122 : i32
      %mul3A_124 = arith.constant 20000 : i32
      %mul3A_125 = arith.muli %sub3A_123, %mul3A_124 : i32
      %add3A_126 = arith.addi %sub3A_29, %select_n3A_120 : i32
      %get3A_127 = arith.index_cast %add3A_126 : i32 to index
      %get3A_128 = tpu.vector_load %arg9[%get3A_127] {strides = array<i32>} : memref<40xi32, #tpu.memory_space<vmem>>, vector<16xi32>,
      %get3A_129 = vector.shape_cast %get3A_128 : vector<16xi32> to vector<16xi32>
      %slice3A = vector.extract_strided_slice %get3A_129 {offsets = [0], sizes = [1], strides = [1]} : vector<16xi32> to vector<1xi32>
      %squeeze3A = vector.extract %slice3A[0] : i32 from vector<1xi32>
      %sub3A_130 = arith.subi %squeeze3A, %mul3A_125 : i32
      %ge3A = arith.constant 0 : i32
      %ge3A_131 = arith.cmpi sge, %sub3A_130, %ge3A : i32
      %lt3A = arith.constant 20000 : i32
      %lt3A_132 = arith.cmpi slt, %sub3A_130, %lt3A : i32
      %and3A_133 = arith.andi %ge3A_131, %lt3A_132 : i1
      %convert_element_type3A_134 = arith.extui %and3A_133 : i1 to i32
      %cond3A_135 = arith.constant 0 : i32
      %cond3A_136 = arith.cmpi ne, %convert_element_type3A_134, %cond3A_135 : i32
      scf.if %cond3A_136 {
        %jit3A_253 = arith.constant 16 : i32
        %div3A_254 = arith.divsi %sub3A_130, %jit3A_253 : i32
        %sign3A_255 = arith.constant 0 : i32
        %sign3A_256 = arith.cmpi sgt, %sub3A_130, %sign3A_255 : i32
        %sign3A_257 = arith.extui %sign3A_256 : i1 to i32
        %sign3A_258 = arith.constant 0 : i32
        %sign3A_259 = arith.cmpi slt, %sub3A_130, %sign3A_258 : i32
        %sign3A_260 = arith.extui %sign3A_259 : i1 to i32
        %sign3A_261 = arith.subi %sign3A_257, %sign3A_260 : i32
        %sign3A_262 = arith.constant 0 : i32
        %sign3A_263 = arith.cmpi sgt, %jit3A_253, %sign3A_262 : i32
        %sign3A_264 = arith.extui %sign3A_263 : i1 to i32
        %sign3A_265 = arith.constant 0 : i32
        %sign3A_266 = arith.cmpi slt, %jit3A_253, %sign3A_265 : i32
        %sign3A_267 = arith.extui %sign3A_266 : i1 to i32
        %sign3A_268 = arith.subi %sign3A_264, %sign3A_267 : i32
        %ne3A_269 = arith.cmpi ne, %sign3A_261, %sign3A_268 : i32
        %rem3A_270 = arith.remsi %sub3A_130, %jit3A_253 : i32
        %ne3A_271 = arith.constant 0 : i32
        %ne3A_272 = arith.cmpi ne, %rem3A_270, %ne3A_271 : i32
        %and3A_273 = arith.andi %ne3A_269, %ne3A_272 : i1
        %sub3A_274 = arith.constant 1 : i32
        %sub3A_275 = arith.subi %div3A_254, %sub3A_274 : i32
        %select_n3A_276 = arith.select %and3A_273, %sub3A_275, %div3A_254 : i32
        %mul3A_277 = arith.constant 16 : i32
        %mul3A_278 = arith.muli %select_n3A_276, %mul3A_277 : i32
        %sub3A_279 = arith.subi %sub3A_130, %mul3A_278 : i32
        %iota3A = tpu.iota {dimensions = array<i32: 0>} : vector<16xi32>
        %get3A_280 = arith.index_cast %mul3A_278 : i32 to index
        %get3A_281 = tpu.vector_load %arg7[%get3A_280] {strides = array<i32>} : memref<20000xf32, #tpu.memory_space<vmem>>, vector<16xf32>,
        %get3A_282 = vector.shape_cast %get3A_281 : vector<16xf32> to vector<16xf32>
        %eq3A = vector.broadcast %sub3A_279 : i32 to vector<16xi32>
        %eq3A_283 = arith.cmpi eq, %iota3A, %eq3A : vector<16xi32>
        %jit3A_284 = arith.constant 2.560000e+01 : f32
        %jit3A_285 = arith.constant 0.000000e+00 : f32
        %broadcast_in_dim3A = vector.broadcast %jit3A_284 : f32 to vector<16xf32>
        %broadcast_in_dim3A_286 = vector.broadcast %jit3A_285 : f32 to vector<16xf32>
        %select_n3A_287 = arith.select %eq3A_283, %broadcast_in_dim3A, %broadcast_in_dim3A_286 : vector<16xi1>, vector<16xf32>
        %sub3A_288 = arith.subf %get3A_282, %select_n3A_287 : vector<16xf32>
        %swap3A_289 = arith.index_cast %mul3A_278 : i32 to index
        %swap3A_290 = tpu.vector_load %arg7[%swap3A_289] {strides = array<i32>} : memref<20000xf32, #tpu.memory_space<vmem>>, vector<16xf32>,
        %swap3A_291 = vector.shape_cast %swap3A_290 : vector<16xf32> to vector<16xf32>
        %swap3A_292 = vector.shape_cast %sub3A_288 : vector<16xf32> to vector<16xf32>
        tpu.vector_store %arg7[%swap3A_289], %swap3A_292 {strides = array<i32>} : memref<20000xf32, #tpu.memory_space<vmem>>, vector<16xf32>,
      } else {
      }
      %mul3A_137 = arith.constant 20000 : i32
      %mul3A_138 = arith.muli %add3A_53, %mul3A_137 : i32
      %add3A_139 = arith.addi %mul3A_10, %mul3A_138 : i32
      %dma_start3A_140 = tpu.memref_slice %arg4[%add3A_139] : memref<32000000xf32, #tpu.memory_space<hbm>> -> memref<20000xf32, #tpu.memory_space<hbm>>
      %dma_start3A_141 = tpu.memref_slice %arg4[%add3A_139] : memref<32000000xf32, #tpu.memory_space<hbm>> -> memref<20000xf32, #tpu.memory_space<hbm>>
      tpu.enqueue_dma source(%arg7 : memref<20000xf32, #tpu.memory_space<vmem>>) target(%dma_start3A_141 : memref<20000xf32, #tpu.memory_space<hbm>>) target_semaphore(%arg12 : memref<!tpu.dma_semaphore, #tpu.memory_space<semaphore_mem>>)
      %lt3A_142 = arith.constant 24 : i32
      %lt3A_143 = arith.cmpi slt, %scan3A_49, %lt3A_142 : i32
      %convert_element_type3A_144 = arith.extui %lt3A_143 : i1 to i32
      %cond3A_145 = arith.constant 0 : i32
      %cond3A_146 = arith.cmpi ne, %convert_element_type3A_144, %cond3A_145 : i32
      scf.if %cond3A_146 {
        %add3A_253 = arith.constant 2 : i32
        %add3A_254 = arith.addi %add3A_53, %add3A_253 : i32
        %mul3A_255 = arith.constant 20000 : i32
        %mul3A_256 = arith.muli %add3A_254, %mul3A_255 : i32
        %add3A_257 = arith.addi %mul3A_6, %mul3A_256 : i32
        %dma_start3A_258 = tpu.memref_slice %arg2[%add3A_257] : memref<102400000xf32, #tpu.memory_space<hbm>> -> memref<20000xf32, #tpu.memory_space<hbm>>
        %dma_start3A_259 = tpu.memref_slice %arg2[%add3A_257] : memref<102400000xf32, #tpu.memory_space<hbm>> -> memref<20000xf32, #tpu.memory_space<hbm>>
        tpu.enqueue_dma source(%dma_start3A_259 : memref<20000xf32, #tpu.memory_space<hbm>>) target(%arg5 : memref<20000xf32, #tpu.memory_space<vmem>>) target_semaphore(%arg10 : memref<!tpu.dma_semaphore, #tpu.memory_space<semaphore_mem>>)
      } else {
      }
      %mul3A_147 = arith.constant 2 : i32
      %mul3A_148 = arith.muli %scan3A_49, %mul3A_147 : i32
      %add3A_149 = arith.constant 1 : i32
      %add3A_150 = arith.addi %mul3A_148, %add3A_149 : i32
      %mul3A_151 = arith.constant 20000 : i32
      %mul3A_152 = arith.muli %add3A_150, %mul3A_151 : i32
      %add3A_153 = arith.addi %mul3A_6, %mul3A_152 : i32
      %dma_wait3A_154 = tpu.memref_slice %arg2[%add3A_153] : memref<102400000xf32, #tpu.memory_space<hbm>> -> memref<20000xf32, #tpu.memory_space<hbm>>
      %dma_wait3A_155 = tpu.memref_slice %arg2[%add3A_153] : memref<102400000xf32, #tpu.memory_space<hbm>> -> memref<20000xf32, #tpu.memory_space<hbm>>
      tpu.wait_dma2 semaphore(%arg11 : memref<!tpu.dma_semaphore, #tpu.memory_space<semaphore_mem>>) src(%dma_wait3A_155 : memref<20000xf32, #tpu.memory_space<hbm>>) dst(%arg6 : memref<20000xf32, #tpu.memory_space<vmem>>)
      %gt3A_156 = arith.constant 0 : i32
      %gt3A_157 = arith.cmpi sgt, %scan3A_49, %gt3A_156 : i32
      %convert_element_type3A_158 = arith.extui %gt3A_157 : i1 to i32
      %cond3A_159 = arith.constant 0 : i32
      %cond3A_160 = arith.cmpi ne, %convert_element_type3A_158, %cond3A_159 : i32
      scf.if %cond3A_160 {
        %sub3A_253 = arith.constant 2 : i32
        %sub3A_254 = arith.subi %add3A_150, %sub3A_253 : i32
        %mul3A_255 = arith.constant 20000 : i32
        %mul3A_256 = arith.muli %sub3A_254, %mul3A_255 : i32
        %add3A_257 = arith.addi %mul3A_10, %mul3A_256 : i32
        %dma_wait3A_258 = tpu.memref_slice %arg4[%add3A_257] : memref<32000000xf32, #tpu.memory_space<hbm>> -> memref<20000xf32, #tpu.memory_space<hbm>>
        %dma_wait3A_259 = tpu.memref_slice %arg4[%add3A_257] : memref<32000000xf32, #tpu.memory_space<hbm>> -> memref<20000xf32, #tpu.memory_space<hbm>>
        tpu.wait_dma2 semaphore(%arg13 : memref<!tpu.dma_semaphore, #tpu.memory_space<semaphore_mem>>) src(%arg8 : memref<20000xf32, #tpu.memory_space<vmem>>) dst(%dma_wait3A_259 : memref<20000xf32, #tpu.memory_space<hbm>>)
      } else {
      }
      %scan3A_161 = arith.constant 0 : i32
      %scan3A_162 = arith.constant 0 : i32
      %scan3A_163 = arith.constant 1248 : i32
      %scan3A_164 = arith.addi %scan3A_162, %scan3A_163 : i32
      %scan3A_165 = arith.constant 8 : i32
      scf.for %scan3A_253 = %scan3A_162 to %scan3A_164 step %scan3A_165  : i32 {
        %mul3A_254 = arith.constant 16 : i32
        %mul3A_255 = arith.muli %scan3A_253, %mul3A_254 : i32
        %get3A_256 = arith.index_cast %mul3A_255 : i32 to index
        %get3A_257 = tpu.vector_load %arg6[%get3A_256] {strides = array<i32>} : memref<20000xf32, #tpu.memory_space<vmem>>, vector<16xf32>,
        %get3A_258 = vector.shape_cast %get3A_257 : vector<16xf32> to vector<16xf32>
        %mul3A_259 = arith.constant 6.400000e+01 : f32
        %mul3A_260 = vector.broadcast %mul3A_259 : f32 to vector<16xf32>
        %mul3A_261 = arith.mulf %get3A_258, %mul3A_260 : vector<16xf32>
        %mul3A_262 = arith.constant 16 : i32
        %mul3A_263 = arith.muli %scan3A_253, %mul3A_262 : i32
        %swap3A_264 = arith.index_cast %mul3A_263 : i32 to index
        %swap3A_265 = tpu.vector_load %arg8[%swap3A_264] {strides = array<i32>} : memref<20000xf32, #tpu.memory_space<vmem>>, vector<16xf32>,
        %swap3A_266 = vector.shape_cast %swap3A_265 : vector<16xf32> to vector<16xf32>
        %swap3A_267 = vector.shape_cast %mul3A_261 : vector<16xf32> to vector<16xf32>
        tpu.vector_store %arg8[%swap3A_264], %swap3A_267 {strides = array<i32>} : memref<20000xf32, #tpu.memory_space<vmem>>, vector<16xf32>,
        %scan3A_268 = arith.constant 1 : i32
        %scan3A_269 = arith.addi %scan3A_253, %scan3A_268 : i32
        %mul3A_270 = arith.constant 16 : i32
        %mul3A_271 = arith.muli %scan3A_269, %mul3A_270 : i32
        %get3A_272 = arith.index_cast %mul3A_271 : i32 to index
        %get3A_273 = tpu.vector_load %arg6[%get3A_272] {strides = array<i32>} : memref<20000xf32, #tpu.memory_space<vmem>>, vector<16xf32>,
        %get3A_274 = vector.shape_cast %get3A_273 : vector<16xf32> to vector<16xf32>
        %mul3A_275 = arith.constant 6.400000e+01 : f32
        %mul3A_276 = vector.broadcast %mul3A_275 : f32 to vector<16xf32>
        %mul3A_277 = arith.mulf %get3A_274, %mul3A_276 : vector<16xf32>
        %mul3A_278 = arith.constant 16 : i32
        %mul3A_279 = arith.muli %scan3A_269, %mul3A_278 : i32
        %swap3A_280 = arith.index_cast %mul3A_279 : i32 to index
        %swap3A_281 = tpu.vector_load %arg8[%swap3A_280] {strides = array<i32>} : memref<20000xf32, #tpu.memory_space<vmem>>, vector<16xf32>,
        %swap3A_282 = vector.shape_cast %swap3A_281 : vector<16xf32> to vector<16xf32>
        %swap3A_283 = vector.shape_cast %mul3A_277 : vector<16xf32> to vector<16xf32>
        tpu.vector_store %arg8[%swap3A_280], %swap3A_283 {strides = array<i32>} : memref<20000xf32, #tpu.memory_space<vmem>>, vector<16xf32>,
        %scan3A_284 = arith.constant 2 : i32
        %scan3A_285 = arith.addi %scan3A_253, %scan3A_284 : i32
        %mul3A_286 = arith.constant 16 : i32
        %mul3A_287 = arith.muli %scan3A_285, %mul3A_286 : i32
        %get3A_288 = arith.index_cast %mul3A_287 : i32 to index
        %get3A_289 = tpu.vector_load %arg6[%get3A_288] {strides = array<i32>} : memref<20000xf32, #tpu.memory_space<vmem>>, vector<16xf32>,
        %get3A_290 = vector.shape_cast %get3A_289 : vector<16xf32> to vector<16xf32>
        %mul3A_291 = arith.constant 6.400000e+01 : f32
        %mul3A_292 = vector.broadcast %mul3A_291 : f32 to vector<16xf32>
        %mul3A_293 = arith.mulf %get3A_290, %mul3A_292 : vector<16xf32>
        %mul3A_294 = arith.constant 16 : i32
        %mul3A_295 = arith.muli %scan3A_285, %mul3A_294 : i32
        %swap3A_296 = arith.index_cast %mul3A_295 : i32 to index
        %swap3A_297 = tpu.vector_load %arg8[%swap3A_296] {strides = array<i32>} : memref<20000xf32, #tpu.memory_space<vmem>>, vector<16xf32>,
        %swap3A_298 = vector.shape_cast %swap3A_297 : vector<16xf32> to vector<16xf32>
        %swap3A_299 = vector.shape_cast %mul3A_293 : vector<16xf32> to vector<16xf32>
        tpu.vector_store %arg8[%swap3A_296], %swap3A_299 {strides = array<i32>} : memref<20000xf32, #tpu.memory_space<vmem>>, vector<16xf32>,
        %scan3A_300 = arith.constant 3 : i32
        %scan3A_301 = arith.addi %scan3A_253, %scan3A_300 : i32
        %mul3A_302 = arith.constant 16 : i32
        %mul3A_303 = arith.muli %scan3A_301, %mul3A_302 : i32
        %get3A_304 = arith.index_cast %mul3A_303 : i32 to index
        %get3A_305 = tpu.vector_load %arg6[%get3A_304] {strides = array<i32>} : memref<20000xf32, #tpu.memory_space<vmem>>, vector<16xf32>,
        %get3A_306 = vector.shape_cast %get3A_305 : vector<16xf32> to vector<16xf32>
        %mul3A_307 = arith.constant 6.400000e+01 : f32
        %mul3A_308 = vector.broadcast %mul3A_307 : f32 to vector<16xf32>
        %mul3A_309 = arith.mulf %get3A_306, %mul3A_308 : vector<16xf32>
        %mul3A_310 = arith.constant 16 : i32
        %mul3A_311 = arith.muli %scan3A_301, %mul3A_310 : i32
        %swap3A_312 = arith.index_cast %mul3A_311 : i32 to index
        %swap3A_313 = tpu.vector_load %arg8[%swap3A_312] {strides = array<i32>} : memref<20000xf32, #tpu.memory_space<vmem>>, vector<16xf32>,
        %swap3A_314 = vector.shape_cast %swap3A_313 : vector<16xf32> to vector<16xf32>
        %swap3A_315 = vector.shape_cast %mul3A_309 : vector<16xf32> to vector<16xf32>
        tpu.vector_store %arg8[%swap3A_312], %swap3A_315 {strides = array<i32>} : memref<20000xf32, #tpu.memory_space<vmem>>, vector<16xf32>,
        %scan3A_316 = arith.constant 4 : i32
        %scan3A_317 = arith.addi %scan3A_253, %scan3A_316 : i32
        %mul3A_318 = arith.constant 16 : i32
        %mul3A_319 = arith.muli %scan3A_317, %mul3A_318 : i32
        %get3A_320 = arith.index_cast %mul3A_319 : i32 to index
        %get3A_321 = tpu.vector_load %arg6[%get3A_320] {strides = array<i32>} : memref<20000xf32, #tpu.memory_space<vmem>>, vector<16xf32>,
        %get3A_322 = vector.shape_cast %get3A_321 : vector<16xf32> to vector<16xf32>
        %mul3A_323 = arith.constant 6.400000e+01 : f32
        %mul3A_324 = vector.broadcast %mul3A_323 : f32 to vector<16xf32>
        %mul3A_325 = arith.mulf %get3A_322, %mul3A_324 : vector<16xf32>
        %mul3A_326 = arith.constant 16 : i32
        %mul3A_327 = arith.muli %scan3A_317, %mul3A_326 : i32
        %swap3A_328 = arith.index_cast %mul3A_327 : i32 to index
        %swap3A_329 = tpu.vector_load %arg8[%swap3A_328] {strides = array<i32>} : memref<20000xf32, #tpu.memory_space<vmem>>, vector<16xf32>,
        %swap3A_330 = vector.shape_cast %swap3A_329 : vector<16xf32> to vector<16xf32>
        %swap3A_331 = vector.shape_cast %mul3A_325 : vector<16xf32> to vector<16xf32>
        tpu.vector_store %arg8[%swap3A_328], %swap3A_331 {strides = array<i32>} : memref<20000xf32, #tpu.memory_space<vmem>>, vector<16xf32>,
        %scan3A_332 = arith.constant 5 : i32
        %scan3A_333 = arith.addi %scan3A_253, %scan3A_332 : i32
        %mul3A_334 = arith.constant 16 : i32
        %mul3A_335 = arith.muli %scan3A_333, %mul3A_334 : i32
        %get3A_336 = arith.index_cast %mul3A_335 : i32 to index
        %get3A_337 = tpu.vector_load %arg6[%get3A_336] {strides = array<i32>} : memref<20000xf32, #tpu.memory_space<vmem>>, vector<16xf32>,
        %get3A_338 = vector.shape_cast %get3A_337 : vector<16xf32> to vector<16xf32>
        %mul3A_339 = arith.constant 6.400000e+01 : f32
        %mul3A_340 = vector.broadcast %mul3A_339 : f32 to vector<16xf32>
        %mul3A_341 = arith.mulf %get3A_338, %mul3A_340 : vector<16xf32>
        %mul3A_342 = arith.constant 16 : i32
        %mul3A_343 = arith.muli %scan3A_333, %mul3A_342 : i32
        %swap3A_344 = arith.index_cast %mul3A_343 : i32 to index
        %swap3A_345 = tpu.vector_load %arg8[%swap3A_344] {strides = array<i32>} : memref<20000xf32, #tpu.memory_space<vmem>>, vector<16xf32>,
        %swap3A_346 = vector.shape_cast %swap3A_345 : vector<16xf32> to vector<16xf32>
        %swap3A_347 = vector.shape_cast %mul3A_341 : vector<16xf32> to vector<16xf32>
        tpu.vector_store %arg8[%swap3A_344], %swap3A_347 {strides = array<i32>} : memref<20000xf32, #tpu.memory_space<vmem>>, vector<16xf32>,
        %scan3A_348 = arith.constant 6 : i32
        %scan3A_349 = arith.addi %scan3A_253, %scan3A_348 : i32
        %mul3A_350 = arith.constant 16 : i32
        %mul3A_351 = arith.muli %scan3A_349, %mul3A_350 : i32
        %get3A_352 = arith.index_cast %mul3A_351 : i32 to index
        %get3A_353 = tpu.vector_load %arg6[%get3A_352] {strides = array<i32>} : memref<20000xf32, #tpu.memory_space<vmem>>, vector<16xf32>,
        %get3A_354 = vector.shape_cast %get3A_353 : vector<16xf32> to vector<16xf32>
        %mul3A_355 = arith.constant 6.400000e+01 : f32
        %mul3A_356 = vector.broadcast %mul3A_355 : f32 to vector<16xf32>
        %mul3A_357 = arith.mulf %get3A_354, %mul3A_356 : vector<16xf32>
        %mul3A_358 = arith.constant 16 : i32
        %mul3A_359 = arith.muli %scan3A_349, %mul3A_358 : i32
        %swap3A_360 = arith.index_cast %mul3A_359 : i32 to index
        %swap3A_361 = tpu.vector_load %arg8[%swap3A_360] {strides = array<i32>} : memref<20000xf32, #tpu.memory_space<vmem>>, vector<16xf32>,
        %swap3A_362 = vector.shape_cast %swap3A_361 : vector<16xf32> to vector<16xf32>
        %swap3A_363 = vector.shape_cast %mul3A_357 : vector<16xf32> to vector<16xf32>
        tpu.vector_store %arg8[%swap3A_360], %swap3A_363 {strides = array<i32>} : memref<20000xf32, #tpu.memory_space<vmem>>, vector<16xf32>,
        %scan3A_364 = arith.constant 7 : i32
        %scan3A_365 = arith.addi %scan3A_253, %scan3A_364 : i32
        %mul3A_366 = arith.constant 16 : i32
        %mul3A_367 = arith.muli %scan3A_365, %mul3A_366 : i32
        %get3A_368 = arith.index_cast %mul3A_367 : i32 to index
        %get3A_369 = tpu.vector_load %arg6[%get3A_368] {strides = array<i32>} : memref<20000xf32, #tpu.memory_space<vmem>>, vector<16xf32>,
        %get3A_370 = vector.shape_cast %get3A_369 : vector<16xf32> to vector<16xf32>
        %mul3A_371 = arith.constant 6.400000e+01 : f32
        %mul3A_372 = vector.broadcast %mul3A_371 : f32 to vector<16xf32>
        %mul3A_373 = arith.mulf %get3A_370, %mul3A_372 : vector<16xf32>
        %mul3A_374 = arith.constant 16 : i32
        %mul3A_375 = arith.muli %scan3A_365, %mul3A_374 : i32
        %swap3A_376 = arith.index_cast %mul3A_375 : i32 to index
        %swap3A_377 = tpu.vector_load %arg8[%swap3A_376] {strides = array<i32>} : memref<20000xf32, #tpu.memory_space<vmem>>, vector<16xf32>,
        %swap3A_378 = vector.shape_cast %swap3A_377 : vector<16xf32> to vector<16xf32>
        %swap3A_379 = vector.shape_cast %mul3A_373 : vector<16xf32> to vector<16xf32>
        tpu.vector_store %arg8[%swap3A_376], %swap3A_379 {strides = array<i32>} : memref<20000xf32, #tpu.memory_space<vmem>>, vector<16xf32>,
      }
      %scan3A_166 = arith.constant 1248 : i32
      %scan3A_167 = arith.addi %scan3A_162, %scan3A_166 : i32
      %mul3A_168 = arith.constant 16 : i32
      %mul3A_169 = arith.muli %scan3A_167, %mul3A_168 : i32
      %get3A_170 = arith.index_cast %mul3A_169 : i32 to index
      %get3A_171 = tpu.vector_load %arg6[%get3A_170] {strides = array<i32>} : memref<20000xf32, #tpu.memory_space<vmem>>, vector<16xf32>,
      %get3A_172 = vector.shape_cast %get3A_171 : vector<16xf32> to vector<16xf32>
      %mul3A_173 = arith.constant 6.400000e+01 : f32
      %mul3A_174 = vector.broadcast %mul3A_173 : f32 to vector<16xf32>
      %mul3A_175 = arith.mulf %get3A_172, %mul3A_174 : vector<16xf32>
      %mul3A_176 = arith.constant 16 : i32
      %mul3A_177 = arith.muli %scan3A_167, %mul3A_176 : i32
      %swap3A_178 = arith.index_cast %mul3A_177 : i32 to index
      %swap3A_179 = tpu.vector_load %arg8[%swap3A_178] {strides = array<i32>} : memref<20000xf32, #tpu.memory_space<vmem>>, vector<16xf32>,
      %swap3A_180 = vector.shape_cast %swap3A_179 : vector<16xf32> to vector<16xf32>
      %swap3A_181 = vector.shape_cast %mul3A_175 : vector<16xf32> to vector<16xf32>
      tpu.vector_store %arg8[%swap3A_178], %swap3A_181 {strides = array<i32>} : memref<20000xf32, #tpu.memory_space<vmem>>, vector<16xf32>,
      %scan3A_182 = arith.constant 1249 : i32
      %scan3A_183 = arith.addi %scan3A_162, %scan3A_182 : i32
      %mul3A_184 = arith.constant 16 : i32
      %mul3A_185 = arith.muli %scan3A_183, %mul3A_184 : i32
      %get3A_186 = arith.index_cast %mul3A_185 : i32 to index
      %get3A_187 = tpu.vector_load %arg6[%get3A_186] {strides = array<i32>} : memref<20000xf32, #tpu.memory_space<vmem>>, vector<16xf32>,
      %get3A_188 = vector.shape_cast %get3A_187 : vector<16xf32> to vector<16xf32>
      %mul3A_189 = arith.constant 6.400000e+01 : f32
      %mul3A_190 = vector.broadcast %mul3A_189 : f32 to vector<16xf32>
      %mul3A_191 = arith.mulf %get3A_188, %mul3A_190 : vector<16xf32>
      %mul3A_192 = arith.constant 16 : i32
      %mul3A_193 = arith.muli %scan3A_183, %mul3A_192 : i32
      %swap3A_194 = arith.index_cast %mul3A_193 : i32 to index
      %swap3A_195 = tpu.vector_load %arg8[%swap3A_194] {strides = array<i32>} : memref<20000xf32, #tpu.memory_space<vmem>>, vector<16xf32>,
      %swap3A_196 = vector.shape_cast %swap3A_195 : vector<16xf32> to vector<16xf32>
      %swap3A_197 = vector.shape_cast %mul3A_191 : vector<16xf32> to vector<16xf32>
      tpu.vector_store %arg8[%swap3A_194], %swap3A_197 {strides = array<i32>} : memref<20000xf32, #tpu.memory_space<vmem>>, vector<16xf32>,
      %scan3A_198 = arith.constant 1250 : i32
      %jit3A_199 = arith.constant 5 : i32
      %div3A_200 = arith.divsi %add3A_150, %jit3A_199 : i32
      %sign3A_201 = arith.constant 0 : i32
      %sign3A_202 = arith.cmpi sgt, %add3A_150, %sign3A_201 : i32
      %sign3A_203 = arith.extui %sign3A_202 : i1 to i32
      %sign3A_204 = arith.constant 0 : i32
      %sign3A_205 = arith.cmpi slt, %add3A_150, %sign3A_204 : i32
      %sign3A_206 = arith.extui %sign3A_205 : i1 to i32
      %sign3A_207 = arith.subi %sign3A_203, %sign3A_206 : i32
      %sign3A_208 = arith.constant 0 : i32
      %sign3A_209 = arith.cmpi sgt, %jit3A_199, %sign3A_208 : i32
      %sign3A_210 = arith.extui %sign3A_209 : i1 to i32
      %sign3A_211 = arith.constant 0 : i32
      %sign3A_212 = arith.cmpi slt, %jit3A_199, %sign3A_211 : i32
      %sign3A_213 = arith.extui %sign3A_212 : i1 to i32
      %sign3A_214 = arith.subi %sign3A_210, %sign3A_213 : i32
      %ne3A_215 = arith.cmpi ne, %sign3A_207, %sign3A_214 : i32
      %rem3A_216 = arith.remsi %add3A_150, %jit3A_199 : i32
      %ne3A_217 = arith.constant 0 : i32
      %ne3A_218 = arith.cmpi ne, %rem3A_216, %ne3A_217 : i32
      %and3A_219 = arith.andi %ne3A_215, %ne3A_218 : i1
      %sub3A_220 = arith.constant 1 : i32
      %sub3A_221 = arith.subi %div3A_200, %sub3A_220 : i32
      %select_n3A_222 = arith.select %and3A_219, %sub3A_221, %div3A_200 : i32
      %mul3A_223 = arith.constant 5 : i32
      %mul3A_224 = arith.muli %select_n3A_222, %mul3A_223 : i32
      %sub3A_225 = arith.subi %add3A_150, %mul3A_224 : i32
      %mul3A_226 = arith.constant 20000 : i32
      %mul3A_227 = arith.muli %sub3A_225, %mul3A_226 : i32
      %add3A_228 = arith.addi %sub3A_29, %select_n3A_222 : i32
      %get3A_229 = arith.index_cast %add3A_228 : i32 to index
      %get3A_230 = tpu.vector_load %arg9[%get3A_229] {strides = array<i32>} : memref<40xi32, #tpu.memory_space<vmem>>, vector<16xi32>,
      %get3A_231 = vector.shape_cast %get3A_230 : vector<16xi32> to vector<16xi32>
      %slice3A_232 = vector.extract_strided_slice %get3A_231 {offsets = [0], sizes = [1], strides = [1]} : vector<16xi32> to vector<1xi32>
      %squeeze3A_233 = vector.extract %slice3A_232[0] : i32 from vector<1xi32>
      %sub3A_234 = arith.subi %squeeze3A_233, %mul3A_227 : i32
      %ge3A_235 = arith.constant 0 : i32
      %ge3A_236 = arith.cmpi sge, %sub3A_234, %ge3A_235 : i32
      %lt3A_237 = arith.constant 20000 : i32
      %lt3A_238 = arith.cmpi slt, %sub3A_234, %lt3A_237 : i32
      %and3A_239 = arith.andi %ge3A_236, %lt3A_238 : i1
      %convert_element_type3A_240 = arith.extui %and3A_239 : i1 to i32
      %cond3A_241 = arith.constant 0 : i32
      %cond3A_242 = arith.cmpi ne, %convert_element_type3A_240, %cond3A_241 : i32
      scf.if %cond3A_242 {
        %jit3A_253 = arith.constant 16 : i32
        %div3A_254 = arith.divsi %sub3A_234, %jit3A_253 : i32
        %sign3A_255 = arith.constant 0 : i32
        %sign3A_256 = arith.cmpi sgt, %sub3A_234, %sign3A_255 : i32
        %sign3A_257 = arith.extui %sign3A_256 : i1 to i32
        %sign3A_258 = arith.constant 0 : i32
        %sign3A_259 = arith.cmpi slt, %sub3A_234, %sign3A_258 : i32
        %sign3A_260 = arith.extui %sign3A_259 : i1 to i32
        %sign3A_261 = arith.subi %sign3A_257, %sign3A_260 : i32
        %sign3A_262 = arith.constant 0 : i32
        %sign3A_263 = arith.cmpi sgt, %jit3A_253, %sign3A_262 : i32
        %sign3A_264 = arith.extui %sign3A_263 : i1 to i32
        %sign3A_265 = arith.constant 0 : i32
        %sign3A_266 = arith.cmpi slt, %jit3A_253, %sign3A_265 : i32
        %sign3A_267 = arith.extui %sign3A_266 : i1 to i32
        %sign3A_268 = arith.subi %sign3A_264, %sign3A_267 : i32
        %ne3A_269 = arith.cmpi ne, %sign3A_261, %sign3A_268 : i32
        %rem3A_270 = arith.remsi %sub3A_234, %jit3A_253 : i32
        %ne3A_271 = arith.constant 0 : i32
        %ne3A_272 = arith.cmpi ne, %rem3A_270, %ne3A_271 : i32
        %and3A_273 = arith.andi %ne3A_269, %ne3A_272 : i1
        %sub3A_274 = arith.constant 1 : i32
        %sub3A_275 = arith.subi %div3A_254, %sub3A_274 : i32
        %select_n3A_276 = arith.select %and3A_273, %sub3A_275, %div3A_254 : i32
        %mul3A_277 = arith.constant 16 : i32
        %mul3A_278 = arith.muli %select_n3A_276, %mul3A_277 : i32
        %sub3A_279 = arith.subi %sub3A_234, %mul3A_278 : i32
        %iota3A = tpu.iota {dimensions = array<i32: 0>} : vector<16xi32>
        %get3A_280 = arith.index_cast %mul3A_278 : i32 to index
        %get3A_281 = tpu.vector_load %arg8[%get3A_280] {strides = array<i32>} : memref<20000xf32, #tpu.memory_space<vmem>>, vector<16xf32>,
        %get3A_282 = vector.shape_cast %get3A_281 : vector<16xf32> to vector<16xf32>
        %eq3A = vector.broadcast %sub3A_279 : i32 to vector<16xi32>
        %eq3A_283 = arith.cmpi eq, %iota3A, %eq3A : vector<16xi32>
        %jit3A_284 = arith.constant 2.560000e+01 : f32
        %jit3A_285 = arith.constant 0.000000e+00 : f32
        %broadcast_in_dim3A = vector.broadcast %jit3A_284 : f32 to vector<16xf32>
        %broadcast_in_dim3A_286 = vector.broadcast %jit3A_285 : f32 to vector<16xf32>
        %select_n3A_287 = arith.select %eq3A_283, %broadcast_in_dim3A, %broadcast_in_dim3A_286 : vector<16xi1>, vector<16xf32>
        %sub3A_288 = arith.subf %get3A_282, %select_n3A_287 : vector<16xf32>
        %swap3A_289 = arith.index_cast %mul3A_278 : i32 to index
        %swap3A_290 = tpu.vector_load %arg8[%swap3A_289] {strides = array<i32>} : memref<20000xf32, #tpu.memory_space<vmem>>, vector<16xf32>,
        %swap3A_291 = vector.shape_cast %swap3A_290 : vector<16xf32> to vector<16xf32>
        %swap3A_292 = vector.shape_cast %sub3A_288 : vector<16xf32> to vector<16xf32>
        tpu.vector_store %arg8[%swap3A_289], %swap3A_292 {strides = array<i32>} : memref<20000xf32, #tpu.memory_space<vmem>>, vector<16xf32>,
      } else {
      }
      %mul3A_243 = arith.constant 20000 : i32
      %mul3A_244 = arith.muli %add3A_150, %mul3A_243 : i32
      %add3A_245 = arith.addi %mul3A_10, %mul3A_244 : i32
      %dma_start3A_246 = tpu.memref_slice %arg4[%add3A_245] : memref<32000000xf32, #tpu.memory_space<hbm>> -> memref<20000xf32, #tpu.memory_space<hbm>>
      %dma_start3A_247 = tpu.memref_slice %arg4[%add3A_245] : memref<32000000xf32, #tpu.memory_space<hbm>> -> memref<20000xf32, #tpu.memory_space<hbm>>
      tpu.enqueue_dma source(%arg8 : memref<20000xf32, #tpu.memory_space<vmem>>) target(%dma_start3A_247 : memref<20000xf32, #tpu.memory_space<hbm>>) target_semaphore(%arg13 : memref<!tpu.dma_semaphore, #tpu.memory_space<semaphore_mem>>)
      %lt3A_248 = arith.constant 24 : i32
      %lt3A_249 = arith.cmpi slt, %scan3A_49, %lt3A_248 : i32
      %convert_element_type3A_250 = arith.extui %lt3A_249 : i1 to i32
      %cond3A_251 = arith.constant 0 : i32
      %cond3A_252 = arith.cmpi ne, %convert_element_type3A_250, %cond3A_251 : i32
      scf.if %cond3A_252 {
        %add3A_253 = arith.constant 2 : i32
        %add3A_254 = arith.addi %add3A_150, %add3A_253 : i32
        %mul3A_255 = arith.constant 20000 : i32
        %mul3A_256 = arith.muli %add3A_254, %mul3A_255 : i32
        %add3A_257 = arith.addi %mul3A_6, %mul3A_256 : i32
        %dma_start3A_258 = tpu.memref_slice %arg2[%add3A_257] : memref<102400000xf32, #tpu.memory_space<hbm>> -> memref<20000xf32, #tpu.memory_space<hbm>>
        %dma_start3A_259 = tpu.memref_slice %arg2[%add3A_257] : memref<102400000xf32, #tpu.memory_space<hbm>> -> memref<20000xf32, #tpu.memory_space<hbm>>
        tpu.enqueue_dma source(%dma_start3A_259 : memref<20000xf32, #tpu.memory_space<hbm>>) target(%arg6 : memref<20000xf32, #tpu.memory_space<vmem>>) target_semaphore(%arg11 : memref<!tpu.dma_semaphore, #tpu.memory_space<semaphore_mem>>)
      } else {
      }
    }
    %scan3A_41 = arith.constant 25 : i32
    %add3A_42 = arith.constant 960000 : i32
    %add3A_43 = arith.addi %mul3A_10, %add3A_42 : i32
    %dma_wait3A = tpu.memref_slice %arg4[%add3A_43] : memref<32000000xf32, #tpu.memory_space<hbm>> -> memref<20000xf32, #tpu.memory_space<hbm>>
    %dma_wait3A_44 = tpu.memref_slice %arg4[%add3A_43] : memref<32000000xf32, #tpu.memory_space<hbm>> -> memref<20000xf32, #tpu.memory_space<hbm>>
    tpu.wait_dma2 semaphore(%arg12 : memref<!tpu.dma_semaphore, #tpu.memory_space<semaphore_mem>>) src(%arg7 : memref<20000xf32, #tpu.memory_space<vmem>>) dst(%dma_wait3A_44 : memref<20000xf32, #tpu.memory_space<hbm>>)
    %add3A_45 = arith.constant 980000 : i32
    %add3A_46 = arith.addi %mul3A_10, %add3A_45 : i32
    %dma_wait3A_47 = tpu.memref_slice %arg4[%add3A_46] : memref<32000000xf32, #tpu.memory_space<hbm>> -> memref<20000xf32, #tpu.memory_space<hbm>>
    %dma_wait3A_48 = tpu.memref_slice %arg4[%add3A_46] : memref<32000000xf32, #tpu.memory_space<hbm>> -> memref<20000xf32, #tpu.memory_space<hbm>>
    tpu.wait_dma2 semaphore(%arg13 : memref<!tpu.dma_semaphore, #tpu.memory_space<semaphore_mem>>) src(%arg8 : memref<20000xf32, #tpu.memory_space<vmem>>) dst(%dma_wait3A_48 : memref<20000xf32, #tpu.memory_space<hbm>>)
    return
  }
}

module attributes {stable_mosaic.version = 14 : i64} {
  func.func @_cosface_block(%arg0: i32, %arg1: memref<704x1xi32, #tpu.memory_space<vmem>>, %arg2: memref<704x2048xf32, #tpu.memory_space<vmem>>, %arg3: memref<704x2048xf32, #tpu.memory_space<vmem>>) attributes {dimension_semantics = [#tpu.dimension_semantics<arbitrary>], iteration_bounds = array<i64: 49>, scalar_prefetch = 0 : i64, scratch_operands = 0 : i64, tpu.core_type = #tpu.core_type<tc>, window_params = [{transform_indices = @transform_0, window_bounds = array<i64: 704, 1>}, {transform_indices = @transform_1, window_bounds = array<i64: 704, 2048>}, {transform_indices = @transform_2, window_bounds = array<i64: 704, 2048>}]} {
    %get3A = arith.constant 0 : index
    %get3A_0 = arith.constant 0 : index
    %get3A_1 = vector.load %arg2[%get3A, %get3A_0] : memref<704x2048xf32, #tpu.memory_space<vmem>>, vector<704x2048xf32>
    %iota3A = tpu.iota {dimensions = array<i32: 1>} : vector<704x2048xi32>
    %mul3A = arith.constant 2048 : i32
    %mul3A_2 = arith.muli %arg0, %mul3A : i32
    %add3A = vector.broadcast %mul3A_2 : i32 to vector<704x2048xi32>
    %add3A_3 = arith.addi %iota3A, %add3A : vector<704x2048xi32>
    %get3A_4 = arith.constant 0 : index
    %get3A_5 = arith.constant 0 : index
    %get3A_6 = vector.load %arg1[%get3A_4, %get3A_5] : memref<704x1xi32, #tpu.memory_space<vmem>>, vector<704x1xi32>
    %eq3A = vector.broadcast %get3A_6 : vector<704x1xi32> to vector<704x2048xi32>
    %eq3A_7 = arith.cmpi eq, %add3A_3, %eq3A : vector<704x2048xi32>
    %mul3A_8 = arith.constant 6.400000e+01 : f32
    %mul3A_9 = vector.broadcast %mul3A_8 : f32 to vector<704x2048xf32>
    %mul3A_10 = arith.mulf %get3A_1, %mul3A_9 : vector<704x2048xf32>
    %jit3A = arith.constant 2.560000e+01 : f32
    %jit3A_11 = arith.constant 0.000000e+00 : f32
    %broadcast_in_dim3A = vector.broadcast %jit3A : f32 to vector<704x2048xf32>
    %broadcast_in_dim3A_12 = vector.broadcast %jit3A_11 : f32 to vector<704x2048xf32>
    %select_n3A = arith.select %eq3A_7, %broadcast_in_dim3A, %broadcast_in_dim3A_12 : vector<704x2048xi1>, vector<704x2048xf32>
    %sub3A = arith.subf %mul3A_10, %select_n3A : vector<704x2048xf32>
    %swap3A = arith.constant 0 : index
    %swap3A_13 = arith.constant 0 : index
    %swap3A_14 = vector.load %arg3[%swap3A, %swap3A_13] : memref<704x2048xf32, #tpu.memory_space<vmem>>, vector<704x2048xf32>
    tpu.vector_store %arg3[%swap3A, %swap3A_13], %sub3A {strides = array<i32>} : memref<704x2048xf32, #tpu.memory_space<vmem>>, vector<704x2048xf32>,
    return
  }
  func.func @transform_0(%arg0: i32) -> (i32, i32) {
    %c0_i32 = arith.constant 0 : i32
    %c0_i32_0 = arith.constant 0 : i32
    %c0_i32_1 = arith.constant 0 : i32
    return %c0_i32, %c0_i32_0 : i32, i32
  }
  func.func @transform_1(%arg0: i32) -> (i32, i32) {
    %c0_i32 = arith.constant 0 : i32
    %c0_i32_0 = arith.constant 0 : i32
    return %c0_i32, %arg0 : i32, i32
  }
  func.func @transform_2(%arg0: i32) -> (i32, i32) {
    %c0_i32 = arith.constant 0 : i32
    %c0_i32_0 = arith.constant 0 : i32
    return %c0_i32, %arg0 : i32, i32
  }
}

</mosaic_0001>

<sc_bundles>
// kernel: kernel.4.cloned.1.call-start
scs
__scs_entry_jumppad:
0x0: {  	(pc) =	sbr.rel $0x88, $3  }
0x1: {  	(tag) =	ssettag $0x0;
	lr =	simm.s32 $0x1  }
0x2: {  	[smem:$0x3F9F] =	sst lr;
	_ =	strace $0xD0000000  }
0x3: {  	_ = 	snop  }
0x4: {  	_ = 	snop  }
0x5: {  	_ = 	snop  }
0x6: {  	_ = 	snop  }
0x7: {  	_ = 	snop  }
__scs_overlays_trampoline_lowered:
0x8: {  	[smem:$0x3FAE] =	sst s0  }
0x9: {  	[smem:$0x3FAF] =	sst s1  }
0xa: {  	[smem:$0x3FB0] =	sst s2  }
0xb: {  	[smem:$0x3FB1] =	sst s3  }
0xc: {  	[smem:$0x3FB2] =	sst s4  }
0xd: {  	[smem:$0x3FB3] =	sst s5  }
0xe: {  	[smem:$0x3FB4] =	sst s6  }
0xf: {  	[smem:$0x3FB5] =	sst s7  }
0x10: {  	[smem:$0x3FB6] =	sst s8  }
0x11: {  	[smem:$0x3FB7] =	sst s9;
	s0 =	simm.s32 @!p0 $0x0  }
0x12: {  	s1 =	sld [smem:$0x3F9D];
	s0 =	simm.s32 @p0 $0x1  }
0x13: {  	[smem:$0x3FB8] =	sst s0;
	s0 =	simm.s32 @!p1 $0x0  }
0x14: {  	s2 =	sld [smem:$0x3F9C];
	s0 =	simm.s32 @p1 $0x1  }
0x15: {  	[smem:$0x3FB9] =	sst s0;
	s0 =	simm.s32 @!p2 $0x0  }
0x16: {  	s3 =	sld [smem:$0x3FDB];
	s0 =	simm.s32 @p2 $0x1  }
0x17: {  	s4 =	simm.s32 $0x1BF5;
	[smem:$0x3FBB] =	sst s0  }
0x18: {  	s0 =	sld [smem:$0x3F9E];
	_ =	swait.ge [sflag:s4], $0x0  }
0x19: {  	s7 =	sld [smem:$0x3F9F]  }
0x1a: {  	s8 =	sadd.s32 $0xFFFFE003, lr  }
0x1b: {  	s9 =	sadd.s32 $0xFFFFFEF7, lr;
	s5 =	simm.s32 $0xFFFFFFFF;
	p2 =	slt.u32 s8, $0xFFFFF086  }
0x1c: {  	p1 =	slt.u32 s9, $0xF7A;
	s5 =	simm.s32 @!p2 $0x0  }
0x1d: {  	s5 =	simm.s32 @p1 $0x1;
	p0 =	seq.s32 s7, s2  }
0x1e: {  	s7 =	smul.u32 @!p0 $0xF7A, s2;
	p2 =	seq.s32 @!p0 s5, $0x0  }
0x1f: {  	s9 =	smul.u32 $0xF7A, s1;
	s8 =	simm.s32 @!p0 $0x1BF5;
	p2 =	por !p2, p0  }
0x20: {  	[sflag:s8] =	ssyncset.s32 @!p0 $0xFFFFF086;
	s6 =	sadd.s32 @!p0 s3, s7;
	s7 =	simm.s32 @!p0 $0x108  }
0x21: {  	s3 =	sadd.s32 s3, s9;
	s6 =	sadd.s32 @!p0 $0x88, s6;
	s7 =	simm.s32 @p2 $0x1082  }
0x22: {  	[simem:s7], [sflag:s8] =	dma.local @!p0 [hbm:s6], $0xF7A  }
0x23: {  	s9 =	sor.u32 $0xD0000000, s2;
	s6 =	simm.s32 $0x108;
	_ =	swait.ge @!p0 [sflag:s8], $0x0  }
0x24: {  	s3 =	sadd.s32 $0x88, s3;
	s6 =	simm.s32 @!p1 $0x1082;
	[sflag:s4] =	ssyncset.s32 $0xFFFFF086  }
0x25: {  	[simem:s6], [sflag:s4] =	dma.local [hbm:s3], $0xF7A  }
0x26: {  	[smem:$0x3F9F] =	sst s1;
	(tag) =	ssettag s2;
	_ =	strace s9  }
0x27: {  	s1 =	sld [smem:$0x3FAF]  }
0x28: {  	s2 =	sld [smem:$0x3FB0]  }
0x29: {  	s4 =	sld [smem:$0x3FB2]  }
0x2a: {  	p0 =	seq.s32 s5, $0x0;
	s5 =	sld [smem:$0x3FB3]  }
0x2b: {  	s6 =	sld [smem:$0x3FB4]  }
0x2c: {  	s7 =	sld [smem:$0x3FB5]  }
0x2d: {  	s3 =	simm.s32 $0x108;
	s8 =	sld [smem:$0x3FB6]  }
0x2e: {  	s3 =	simm.s32 @!p0 $0x1082;
	s9 =	sld [smem:$0x3FB7]  }
0x2f: {  	lr =	sadd.s32 s0, s3;
	s0 =	sld [smem:$0x3FAE]  }
0x30: {  	s3 =	sld [smem:$0x3FB1]  }
0x31: {  	[smem:$0x3FBA] =	sst s10  }
0x32: {  	s10 =	sld [smem:$0x3FB8];
	_ =	sdelay $0x3  }
0x33: {  	p0 =	seq.s32 s10, $0x1;
	s10 =	sld [smem:$0x3FBA];
	_ =	sdelay $0x3  }
0x34: {  	[smem:$0x3FBA] =	sst s10  }
0x35: {  	s10 =	sld [smem:$0x3FB9];
	_ =	sdelay $0x3  }
0x36: {  	p1 =	seq.s32 s10, $0x1;
	s10 =	sld [smem:$0x3FBA];
	_ =	sdelay $0x3  }
0x37: {  	[smem:$0x3FBA] =	sst s10  }
0x38: {  	s10 =	sld [smem:$0x3FBB]  }
0x39: {  	_ = 	snop;
	(pc) =	sbr.ind lr, $3  }
0x3a: {  	_ = 	snop  }
0x3b: {  	_ = 	snop  }
0x3c: {  	p2 =	seq.s32 s10, $0x1;
	s10 =	sld [smem:$0x3FBA]  }
0x3d: {  	_ =	shalt  }
0x3e: {  	_ =	shalt  }
0x3f: {  	_ =	shalt  }
0x40: {  	_ =	shalt  }
0x41: {  	_ =	shalt  }
0x42: {  	_ =	shalt  }
0x43: {  	_ =	shalt  }
0x44: {  	_ =	shalt  }
0x45: {  	_ =	shalt  }
0x46: {  	_ =	shalt  }
0x47: {  	_ =	shalt  }
0x48: {  	_ =	shalt  }
0x49: {  	_ =	shalt  }
0x4a: {  	_ =	shalt  }
0x4b: {  	_ =	shalt  }
0x4c: {  	_ =	shalt  }
0x4d: {  	_ =	shalt  }
0x4e: {  	_ =	shalt  }
0x4f: {  	_ =	shalt  }
0x50: {  	_ =	shalt  }
0x51: {  	_ =	shalt  }
0x52: {  	_ =	shalt  }
0x53: {  	_ =	shalt  }
0x54: {  	_ =	shalt  }
0x55: {  	_ =	shalt  }
0x56: {  	_ =	shalt  }
0x57: {  	_ =	shalt  }
0x58: {  	_ =	shalt  }
0x59: {  	_ =	shalt  }
0x5a: {  	_ =	shalt  }
0x5b: {  	_ =	shalt  }
0x5c: {  	_ =	shalt  }
0x5d: {  	_ =	shalt  }
0x5e: {  	_ =	shalt  }
0x5f: {  	_ =	shalt  }
0x60: {  	_ =	shalt  }
0x61: {  	_ =	shalt  }
0x62: {  	_ =	shalt  }
0x63: {  	_ =	shalt  }
0x64: {  	_ =	shalt  }
0x65: {  	_ =	shalt  }
0x66: {  	_ =	shalt  }
0x67: {  	_ =	shalt  }
0x68: {  	_ =	shalt  }
0x69: {  	_ =	shalt  }
0x6a: {  	_ =	shalt  }
0x6b: {  	_ =	shalt  }
0x6c: {  	_ =	shalt  }
0x6d: {  	_ =	shalt  }
0x6e: {  	_ =	shalt  }
0x6f: {  	_ =	shalt  }
0x70: {  	_ =	shalt  }
0x71: {  	_ =	shalt  }
0x72: {  	_ =	shalt  }
0x73: {  	_ =	shalt  }
0x74: {  	_ =	shalt  }
0x75: {  	_ =	shalt  }
0x76: {  	_ =	shalt  }
0x77: {  	_ =	shalt  }
0x78: {  	_ =	shalt  }
0x79: {  	_ =	shalt  }
0x7a: {  	_ =	shalt  }
0x7b: {  	_ =	shalt  }
0x7c: {  	_ =	shalt  }
0x7d: {  	_ =	shalt  }
0x7e: {  	_ =	shalt  }
0x7f: {  	_ =	shalt  }
0x80: {  	_ =	shalt  }
0x81: {  	_ =	shalt  }
0x82: {  	_ =	shalt  }
0x83: {  	_ =	shalt  }
0x84: {  	_ =	shalt  }
0x85: {  	_ =	shalt  }
0x86: {  	_ =	shalt  }
0x87: {  	_ =	shalt  }
.Lfunc_end0:
.L_simem_size_0:
called_computation.1_lowered:
.L_overlay_start_0:
0x88: {  	s2 =	sld [smem:$0x3FD9]  }
0x89: {  	s3 =	sld [smem:$0x3FFE];
	_ =	sdelay $0x1  }
0x8a: {  	s1 =	srdreg.scid  }
0x8b: {  	s0 =	sand.u32 $0x1, s1  }
0x8c: {  	s17 =	sshll.u32 s0, $0xA;
	s2 =	sadd.s32 s3, s2  }
0x8d: {  	s2 =	sadd.s32 s2, s17  }
0x8e: {  	[smem:$0x3FC6] =	sst s2  }
0x8f: {  	_ = 	snop  }
0x90: {  	s2 =	sld [smem:$0x3FC8]  }
0x91: {  	s18 =	sld [smem:$0x3FD0];
	(tm) =	ssettm $0x1  }
0x92: {  	s4 =	sld [smem:$0x3FFB];
	_ =	sdelay $0x3  }
0x93: {  	_ =	strace s4  }
0x94: {  	s4 =	sld [smem:$0x3FFC];
	_ =	sdelay $0x3  }
0x95: {  	_ =	strace s4  }
0x96: {  	s4 =	sld [smem:$0x3FFD];
	_ =	sdelay $0x3  }
0x97: {  	_ =	strace s4  }
0x98: {  	_ =	strace $0x8FFFFFFF  }
0x99: {  	s19 =	sld [smem:$0x3FDB];
	_ =	sdelay $0x1  }
0x9a: {  	s5 =	simm.s32 $_scs_section_size  }
0x9b: {  	s6 =	simm.s32 $_size__tile_overlayer_lowered;
	s7 =	simm.s32 $_tile_overlayer_lowered  }
0x9c: {  	s22 =	simm.s32 $0x1BFF;
	s21 =	sshll.u32 s7, $0x1;
	s4 =	sadd.s32 s5, s19  }
0x9d: {  	s8 =	simm.s32 $0x0;
	s20 =	sshll.u32 s6, $0x1;
	s6 =	sadd.s32 s21, s4  }
0x9e: {  	[timem:s8], [sflag:s22] =	dma.local [hbm:s6], s20  }
0x9f: {  	_ =	swait.ge [sflag:s22], s20  }
0xa0: {  	s5 =	ssub.s32 $0x0, s20;
	[sflag:s22] =	ssyncset.done $0x0  }
0xa1: {  	[sflag:s22] =	ssyncadd.s32 s5;
	_ =	sdelay $0x1  }
0xa2: {  	s23 =	simm.s32 $0x1B8B  }
0xa3: {  	_ =	swait.ge [sflag:s23], $0x1  }
0xa4: {  	[sflag:s23] =	ssyncset.done $0x0  }
0xa5: {  	s25 =	simm.s32 $0x1B8E;
	s24 =	sld [smem:$0x3FFE];
	[sflag:s23] =	ssyncadd.s32 $0xFFFFFFFF  }
0xa6: {  	s26 =	simm.s32 $execute0_lowered;
	[smem:$0x3FD2] =	sst s25  }
0xa7: {  	s6 =	sshll.u32 s26, $0x1;
	_ =	strace $0x80000046;
	[dreg:$0x1] =	wrdreg $0xFFFFFFFF  }
0xa8: {  	s28 =	simm.s32 $_size_execute0_lowered;
	s4 =	sadd.s32 s4, s6;
	[dreg:$0x0] =	wrdreg $0x0  }
0xa9: {  	s6 =	sshll.u32 s28, $0x1;
	[dreg:$0x2] =	wrdreg s4  }
0xaa: {  	[dreg:$0x3] =	wrdreg s6  }
0xab: {  	[dreg:$0x4] =	wrdreg $0xC0  }
0xac: {  	_ =	task [dreg:s8], $0x5FFFF  }
0xad: {  	[dreg:$0x1] =	wrdreg $0xFFFFFFFF  }
0xae: {  	[dreg:$0x0] =	wrdreg $0x60  }
0xaf: {  	[dreg:$0x2] =	wrdreg s18  }
0xb0: {  	[dreg:$0x3] =	wrdreg s2  }
0xb1: {  	[dreg:$0x4] =	wrdreg s24  }
0xb2: {  	[dreg:$0x5] =	wrdreg $0x9  }
0xb3: {  	_ =	task.clear_ibuf [dreg:s8], $0x6FFFF;
	_ =	strace $0x90000046  }
0xb4: {  	s29 =	simm.s32 $0x9;
	_ =	strace $0x80000048  }
0xb5: {  	_ =	swait.ge [sflag:s29], $0x1  }
0xb6: {  	[sflag:s29] =	ssyncadd.s32 $0xFFFFFFFF  }
0xb7: {  	_ =	strace $0x90000048  }
0xb8: {  	_ =	sfence  }
0xb9: {  	s30 =	sld [smem:$0x0];
	_ =	sdelay $0x2  }
0xba: {  	s31 =	sshll.u32 s1, $0xD;
	s1 =	sshrl.u32 s1, $0x2  }
0xbb: {  	s3 =	sand.u32 $0x4000, s31;
	s1 =	sadd.s32 s1, s30  }
0xbc: {  	s0 =	sor.u32 s3, s0;
	s1 =	sshll.u32 s1, $0x11  }
0xbd: {  	s0 =	sor.u32 s1, s0  }
0xbe: {  	s0 =	sadd.s32 $0x8F2B, s0  }
0xbf: {  	[sflag:s0] =	ssyncadd.remote.s32 $0x1  }
0xc0: {  	_ =	sfence.sel $0xFFFF  }
0xc1: {  	[dreg:$0x0] =	wrdreg $0xFFFFFFFF;
	(pc) =	sbr.abs _section_cstart, $3  }
0xc2: {  	[dreg:$0x1] =	wrdreg $0xFFFFFFFF  }
0xc3: {  	_ =	task.clear_ibuf [dreg:s8], $0x2FFFF;
	_ =	strace $0x9FFFFFFF  }
0xc4: {  	(tm) =	ssettm $0x7FFFFFFF  }
0xc5: {  	_ =	shalt  }
tec
execute0_lowered:
.L_overlay_start_1:
0x0: {  	(tag) =	ssettag $0x1  }
0x1: {  	s1 =	rddreg [dreg:$0x0]  }
0x2: {  	s2 =	srdreg.scid;
	s6 =	rddreg [dreg:$0x1]  }
0x3: {  	s0 =	stileid.u32;
	s7 =	rddreg [dreg:$0x2]  }
0x4: {  	s3 =	simm.s32 $0x0;
	s13 =	simm.s32 $0x5;
	s14 =	simm.s32 $0x4E80  }
0x5: {  	s15 =	simm.s32 $0x1;
	s4 =	sand.u32 $0x1, s2;
	s28 =	sshll.u32 s0, $0x1  }
0x6: {  	s16 =	simm.s32 $0x9D00;
	s17 =	simm.s32 $0x2;
	s5 =	sor.u32 s4, s28  }
0x7: {  	s18 =	simm.s32 $0xEB80;
	s2 =	rddreg [dreg:$0x3];
	s8 =	smul.u32 $0xA, s5  }
0x8: {  	s19 =	simm.s32 $0x3;
	s20 =	simm.s32 $0x4;
	[smem:$0x7FF] =	sst s3  }
0x9: {  	s9 =	ssub.s32 $0x2, s4;
	s5 =	smul.u32 $0xF4240, s5;
	s10 =	sadd.s32 $0x2C0, s8  }
0xa: {  	_ =	strace $0x80000047;
	s11 =	sshrl.u32 s9, $0x1;
	s12 =	smul.u32 $0x186A0, s10  }
.Ltmp0:
0xb: {  	s4 =	sadd.s32 $0xC38A00, s7;
	s11 =	ssub.s32 s9, s11;
	(pc) =	sbr.rel .LBB2_1-.Ltmp0, $4  }
0xc: {  	s31 =	sand.u32 $0x6, s8;
	s11 =	smax.u32 s11, $0x1;
	s29 =	sshrl.u32 s10, $0x3  }
0xd: {  	s21 =	sor.u32 $0x13A00, s31;
	s6 =	sadd.s32 s6, s29;
	s30 =	sshrl.u32 s12, $0x3  }
0xe: {  	v0 =	vmov s21;
	s21 =	simm.s32 $0x0;
	s9 =	sadd.s32 $0x9C40, s12;
	s7 =	sadd.s32 s1, s30  }
0xf: {  	s10 =	sadd.s32 $0xEA60, s12;
	s12 =	simm.s32 $0x13A00;
	s8 =	sadd.s32 $0x9C4, s7  }
.LBB2_8:
0x10: {  	s21 =	sadd.s32 $0x1, s21  }
0x11: {  	_ =	swait.ge [sflag:s19], $0x4E20;
	p0 =	sne.s32 s21, s11  }
.Ltmp1:
0x12: {  	[sflag:s19] =	ssyncset.done $0x0;
	(pc) =	sbr.rel @!p0 .LBB2_9-.Ltmp1, $4  }
0x13: {  	[sflag:s19] =	ssyncadd.s32 $0xFFFFB1E0  }
0x14: {  	_ =	swait.ge [sflag:s20], $0x4E20  }
0x15: {  	[sflag:s20] =	ssyncset.done $0x0  }
0x16: {  	[sflag:s20] =	ssyncadd.s32 $0xFFFFB1E0  }
.LBB2_1:
0x17: {  	[tilespmem:s12], [sflag:$0x5] =	stream.linear.gather [hbm4b:s6+s3], $0x18, $0x38;
	[tilespmem:$0x13A80] =	vst v63  }
0x18: {  	_ =	swait.ge [sflag:s13], $0x18  }
0x19: {  	[sflag:s13] =	ssyncset.done $0x0  }
0x1a: {  	[sflag:s13] =	ssyncadd.s32 $0xFFFFFFE8  }
0x1b: {  	[tilespmem:s3], [sflag:$0x1] =	stream.linear.gather [hbm4b:s7+s3], $0x4E20, $0x38;
	[tilespmem:$0x13A80] =	vst v63  }
0x1c: {  	s22 =	simm.s32 $0x0  }
0x1d: {  	[tilespmem:s14], [sflag:$0x2] =	stream.linear.gather [hbm4b:s8+s3], $0x4E20, $0x38;
	[tilespmem:$0x13A80] =	vst v63  }
.LBB2_2:
0x1e: {  	_ =	swait.ge [sflag:s15], $0x4E20  }
0x1f: {  	p0 =	seq.s32 s22, $0x0;
	[sflag:s15] =	ssyncset.done $0x0  }
0x20: {  	s23 =	simm.s32 @!p0 $0x3;
	[sflag:s15] =	ssyncadd.s32 $0xFFFFB1E0  }
0x21: {  	_ =	swait.ge @!p0 [sflag:s23], $0x4E20  }
0x22: {  	[sflag:s23] =	ssyncset.done @!p0 $0x0  }
0x23: {  	s31 =	simm.s32 $0x40;
	[sflag:s23] =	ssyncadd.s32 @!p0 $0xFFFFB1E0  }
0x24: {  	v1 =	vld [tilespmem:s31+$0xFFFFFFC0];
	_ =	sdelay $0x4  }
0x25: {  	v1 =	vmul.f32 $6.400000000e+01, v1  }
0x26: {  	s25 =	simm.s32 $0x9D40  }
0x27: {  	[tilespmem:s25+$0xFFFFFFC0] =	vst v1  }
0x28: {  	v1 =	vld [tilespmem:s31+$0xFFFFFFD0];
	_ =	sdelay $0x4  }
0x29: {  	v1 =	vmul.f32 $6.400000000e+01, v1;
	_ =	sdelay $0x1  }
0x2a: {  	[tilespmem:s25+$0xFFFFFFD0] =	vst v1  }
0x2b: {  	v1 =	vld [tilespmem:s31+$0xFFFFFFE0];
	_ =	sdelay $0x4  }
0x2c: {  	v1 =	vmul.f32 $6.400000000e+01, v1;
	_ =	sdelay $0x1  }
0x2d: {  	[tilespmem:s25+$0xFFFFFFE0] =	vst v1  }
0x2e: {  	v1 =	vld [tilespmem:s31+$0xFFFFFFF0];
	_ =	sdelay $0x4  }
0x2f: {  	v1 =	vmul.f32 $6.400000000e+01, v1;
	_ =	sdelay $0x1  }
0x30: {  	[tilespmem:s25+$0xFFFFFFF0] =	vst v1  }
0x31: {  	v1 =	vld [tilespmem:s31+$0x0];
	_ =	sdelay $0x4  }
0x32: {  	v1 =	vmul.f32 $6.400000000e+01, v1;
	_ =	sdelay $0x1  }
0x33: {  	[tilespmem:s25+$0x0] =	vst v1  }
0x34: {  	v1 =	vld [tilespmem:s31+$0x10];
	_ =	sdelay $0x4  }
0x35: {  	v1 =	vmul.f32 $6.400000000e+01, v1;
	_ =	sdelay $0x1  }
0x36: {  	[tilespmem:s25+$0x10] =	vst v1  }
0x37: {  	v1 =	vld [tilespmem:s31+$0x20];
	_ =	sdelay $0x4  }
0x38: {  	v1 =	vmul.f32 $6.400000000e+01, v1;
	_ =	sdelay $0x1  }
0x39: {  	[tilespmem:s25+$0x20] =	vst v1  }
0x3a: {  	v1 =	vld [tilespmem:s31+$0x30];
	_ =	sdelay $0x4  }
0x3b: {  	v1 =	vmul.f32 $6.400000000e+01, v1  }
0x3c: {  	s24 =	sshll.u32 s22, $0x1  }
0x3d: {  	s26 =	simm.s32 $0x0;
	s28 =	simm.s32 $0xC0;
	s23 =	smul.u32 $0x9C40, s22;
	[tilespmem:s25+$0x30] =	vst v1  }
.LBB2_3:
0x3e: {  	v1 =	vld [tilespmem:s28+$0xFFFFFFC0];
	s26 =	sadd.s32 $0x8, s26  }
0x3f: {  	p1 =	slt.u32 s26, $0x4D8;
	_ =	sdelay $0x3  }
0x40: {  	v1 =	vmul.f32 $6.400000000e+01, v1  }
0x41: {  	s25 =	sadd.s32 $0x80, s25  }
0x42: {  	[tilespmem:s25+$0xFFFFFFC0] =	vst v1  }
0x43: {  	v1 =	vld [tilespmem:s28+$0xFFFFFFD0];
	_ =	sdelay $0x4  }
0x44: {  	v1 =	vmul.f32 $6.400000000e+01, v1;
	_ =	sdelay $0x1  }
0x45: {  	[tilespmem:s25+$0xFFFFFFD0] =	vst v1  }
0x46: {  	v1 =	vld [tilespmem:s28+$0xFFFFFFE0];
	_ =	sdelay $0x4  }
0x47: {  	v1 =	vmul.f32 $6.400000000e+01, v1;
	_ =	sdelay $0x1  }
0x48: {  	[tilespmem:s25+$0xFFFFFFE0] =	vst v1  }
0x49: {  	v1 =	vld [tilespmem:s28+$0xFFFFFFF0];
	_ =	sdelay $0x4  }
0x4a: {  	v1 =	vmul.f32 $6.400000000e+01, v1;
	_ =	sdelay $0x1  }
0x4b: {  	[tilespmem:s25+$0xFFFFFFF0] =	vst v1  }
0x4c: {  	v1 =	vld [tilespmem:s28+$0x0];
	_ =	sdelay $0x4  }
0x4d: {  	v1 =	vmul.f32 $6.400000000e+01, v1;
	_ =	sdelay $0x1  }
0x4e: {  	[tilespmem:s25+$0x0] =	vst v1  }
0x4f: {  	v1 =	vld [tilespmem:s28+$0x10];
	_ =	sdelay $0x4  }
0x50: {  	v1 =	vmul.f32 $6.400000000e+01, v1;
	_ =	sdelay $0x1  }
0x51: {  	[tilespmem:s25+$0x10] =	vst v1  }
0x52: {  	v1 =	vld [tilespmem:s28+$0x20];
	_ =	sdelay $0x4  }
0x53: {  	v1 =	vmul.f32 $6.400000000e+01, v1;
	_ =	sdelay $0x1  }
0x54: {  	[tilespmem:s25+$0x20] =	vst v1  }
0x55: {  	v1 =	vld [tilespmem:s28+$0x30];
	_ =	sdelay $0x2  }
.Ltmp2:
0x56: {  	(pc) =	sbr.rel @p1 .LBB2_3-.Ltmp2, $3  }
0x57: {  	_ = 	snop  }
0x58: {  	v1 =	vmul.f32 $6.400000000e+01, v1;
	_ =	sdelay $0x1  }
0x59: {  	s28 =	sadd.s32 $0x80, s28;
	[tilespmem:s25+$0x30] =	vst v1  }
0x5a: {  	v1 =	vld [tilespmem:$0x4E00]  }
0x5b: {  	v2 =	vld [tilespmem:$0x4E10];
	_ =	sdelay $0x3  }
0x5c: {  	v1 =	vmul.f32 $6.400000000e+01, v1  }
0x5d: {  	s25 =	smulhi.u32 $0x66666667, s24;
	v2 =	vmul.f32 $6.400000000e+01, v2  }
0x5e: {  	[tilespmem:$0xEB00] =	vst v1  }
0x5f: {  	s25 =	sshrl.u32 s25, $0x1;
	[tilespmem:$0xEB10] =	vst v2  }
0x60: {  	v1 =	vld.idx.msk [tilespmem:v0+s25+$0x0 ss:$0x1], $0xffff;
	_ =	sdelay $0x4  }
0x61: {  	(v2sf) =	vpush v1, $0x0;
	_ =	sdelay $0xa  }
0x62: {  	s25 =	smul.u32 $0xFFFFFFFB, s25;
	_ =	sdelay $0x1  }
0x63: {  	s25 =	sadd.s32 s24, s25  }
0x64: {  	s25 =	smul.u32 $0xFFFFB1E0, s25  }
0x65: {  	s26 =	spop (v2sf)  }
0x66: {  	s25 =	sadd.s32 s25, s26  }
0x67: {  	p1 =	sgt.u32 s25, $0x4E1F  }
0x68: {  	s26 =	sand.u32 @!p1 $0xF, s26  }
0x69: {  	p2 =	seq.s32 @!p1 s25, $0x0;
	p3 =	sne.s32 @!p1 s26, $0x0  }
0x6a: {  	p2 =	por @!p1 !p2, !p3  }
0x6b: {  	p2 =	por @!p1 !p2, !p2  }
0x6c: {  	s26 =	simm.s32 @!p1 $0xFFFFFFFF;
	p2 =	por !p2, p1  }
0x6d: {  	s26 =	simm.s32 @p2 $0x0  }
0x6e: {  	s26 =	sshll.u32 @!p1 s26, $0x4  }
0x6f: {  	s26 =	sadd.s32 @!p1 s25, s26  }
0x70: {  	s26 =	sand.u32 @!p1 $0xFFFFFFF0, s26  }
0x71: {  	v1 =	vld @!p1 [tilespmem:s26+$0x9D00]  }
0x72: {  	s25 =	ssub.s32 @!p1 s25, s26  }
0x73: {  	v3 =	vlaneseq.u32 @!p1;
	v2 =	vmov @!p1 s25  }
0x74: {  	vm0 =	veq.s32 @!p1 v2, v3;
	v2 =	vimm.f32 @!p1 $0.0e+00  }
0x75: {  	v2 =	vsel @!p1 vm0, $0x41CCCCCD, v2  }
0x76: {  	s30 =	sadd.s32 s5, s23;
	v1 =	vsub.f32 @!p1 v1, v2  }
0x77: {  	s25 =	sshrl.u32 s30, $0x3  }
0x78: {  	s25 =	sadd.s32 s4, s25;
	[tilespmem:s26+$0x9D00] =	vst @!p1 v1;
	p1 =	seq.s32 s22, $0x18  }
0x79: {  	[hbm4b:s25+s3] =	stream.linear.scatter [tilespmem:s16], [sflag:$0x3], $0x4E20, $0x38;
	[tilespmem:$0x13A80] =	vst v63  }
0x7a: {  	s25 =	sadd.s32 @!p1 s23, s9  }
0x7b: {  	s25 =	sshrl.u32 @!p1 s25, $0x3  }
0x7c: {  	s26 =	simm.s32 @!p1 $0x0;
	s25 =	sadd.s32 @!p1 s1, s25  }
0x7d: {  	[tilespmem:s26], [sflag:$0x1] =	stream.linear.gather @!p1 [hbm4b:s25+s26], $0x4E20, $0x38;
	[tilespmem:$0x13A80] =	vst v63  }
0x7e: {  	_ =	swait.ge [sflag:s17], $0x4E20  }
0x7f: {  	[sflag:s17] =	ssyncset.done $0x0  }
0x80: {  	s25 =	simm.s32 @!p0 $0x4;
	[sflag:s17] =	ssyncadd.s32 $0xFFFFB1E0  }
0x81: {  	_ =	swait.ge @!p0 [sflag:s25], $0x4E20  }
0x82: {  	[sflag:s25] =	ssyncset.done @!p0 $0x0  }
0x83: {  	s31 =	simm.s32 $0x4EC0;
	[sflag:s25] =	ssyncadd.s32 @!p0 $0xFFFFB1E0  }
0x84: {  	v1 =	vld [tilespmem:s31+$0xFFFFFFC0];
	_ =	sdelay $0x4  }
0x85: {  	v1 =	vmul.f32 $6.400000000e+01, v1  }
0x86: {  	s25 =	simm.s32 $0xEBC0  }
0x87: {  	[tilespmem:s25+$0xFFFFFFC0] =	vst v1  }
0x88: {  	v1 =	vld [tilespmem:s31+$0xFFFFFFD0];
	_ =	sdelay $0x4  }
0x89: {  	v1 =	vmul.f32 $6.400000000e+01, v1;
	_ =	sdelay $0x1  }
0x8a: {  	[tilespmem:s25+$0xFFFFFFD0] =	vst v1  }
0x8b: {  	v1 =	vld [tilespmem:s31+$0xFFFFFFE0];
	_ =	sdelay $0x4  }
0x8c: {  	v1 =	vmul.f32 $6.400000000e+01, v1;
	_ =	sdelay $0x1  }
0x8d: {  	[tilespmem:s25+$0xFFFFFFE0] =	vst v1  }
0x8e: {  	v1 =	vld [tilespmem:s31+$0xFFFFFFF0];
	_ =	sdelay $0x4  }
0x8f: {  	v1 =	vmul.f32 $6.400000000e+01, v1;
	_ =	sdelay $0x1  }
0x90: {  	[tilespmem:s25+$0xFFFFFFF0] =	vst v1  }
0x91: {  	v1 =	vld [tilespmem:s31+$0x0];
	_ =	sdelay $0x4  }
0x92: {  	v1 =	vmul.f32 $6.400000000e+01, v1;
	_ =	sdelay $0x1  }
0x93: {  	[tilespmem:s25+$0x0] =	vst v1  }
0x94: {  	v1 =	vld [tilespmem:s31+$0x10];
	_ =	sdelay $0x4  }
0x95: {  	v1 =	vmul.f32 $6.400000000e+01, v1;
	_ =	sdelay $0x1  }
0x96: {  	[tilespmem:s25+$0x10] =	vst v1  }
0x97: {  	v1 =	vld [tilespmem:s31+$0x20];
	_ =	sdelay $0x4  }
0x98: {  	v1 =	vmul.f32 $6.400000000e+01, v1;
	_ =	sdelay $0x1  }
0x99: {  	[tilespmem:s25+$0x20] =	vst v1  }
0x9a: {  	v1 =	vld [tilespmem:s31+$0x30];
	_ =	sdelay $0x4  }
0x9b: {  	v1 =	vmul.f32 $6.400000000e+01, v1  }
0x9c: {  	s26 =	sor.u32 $0x1, s24  }
0x9d: {  	s28 =	simm.s32 $0x0;
	s29 =	simm.s32 $0x4F40;
	s24 =	smul.u32 $0x4E20, s26;
	[tilespmem:s25+$0x30] =	vst v1  }
.LBB2_5:
0x9e: {  	v1 =	vld [tilespmem:s29+$0xFFFFFFC0];
	s28 =	sadd.s32 $0x8, s28  }
0x9f: {  	p0 =	slt.u32 s28, $0x4D8;
	_ =	sdelay $0x3  }
0xa0: {  	v1 =	vmul.f32 $6.400000000e+01, v1  }
0xa1: {  	s25 =	sadd.s32 $0x80, s25  }
0xa2: {  	[tilespmem:s25+$0xFFFFFFC0] =	vst v1  }
0xa3: {  	v1 =	vld [tilespmem:s29+$0xFFFFFFD0];
	_ =	sdelay $0x4  }
0xa4: {  	v1 =	vmul.f32 $6.400000000e+01, v1;
	_ =	sdelay $0x1  }
0xa5: {  	[tilespmem:s25+$0xFFFFFFD0] =	vst v1  }
0xa6: {  	v1 =	vld [tilespmem:s29+$0xFFFFFFE0];
	_ =	sdelay $0x4  }
0xa7: {  	v1 =	vmul.f32 $6.400000000e+01, v1;
	_ =	sdelay $0x1  }
0xa8: {  	[tilespmem:s25+$0xFFFFFFE0] =	vst v1  }
0xa9: {  	v1 =	vld [tilespmem:s29+$0xFFFFFFF0];
	_ =	sdelay $0x4  }
0xaa: {  	v1 =	vmul.f32 $6.400000000e+01, v1;
	_ =	sdelay $0x1  }
0xab: {  	[tilespmem:s25+$0xFFFFFFF0] =	vst v1  }
0xac: {  	v1 =	vld [tilespmem:s29+$0x0];
	_ =	sdelay $0x4  }
0xad: {  	v1 =	vmul.f32 $6.400000000e+01, v1;
	_ =	sdelay $0x1  }
0xae: {  	[tilespmem:s25+$0x0] =	vst v1  }
0xaf: {  	v1 =	vld [tilespmem:s29+$0x10];
	_ =	sdelay $0x4  }
0xb0: {  	v1 =	vmul.f32 $6.400000000e+01, v1;
	_ =	sdelay $0x1  }
0xb1: {  	[tilespmem:s25+$0x10] =	vst v1  }
0xb2: {  	v1 =	vld [tilespmem:s29+$0x20];
	_ =	sdelay $0x4  }
0xb3: {  	v1 =	vmul.f32 $6.400000000e+01, v1;
	_ =	sdelay $0x1  }
0xb4: {  	[tilespmem:s25+$0x20] =	vst v1  }
0xb5: {  	v1 =	vld [tilespmem:s29+$0x30];
	_ =	sdelay $0x2  }
.Ltmp3:
0xb6: {  	(pc) =	sbr.rel @p0 .LBB2_5-.Ltmp3, $3  }
0xb7: {  	_ = 	snop  }
0xb8: {  	v1 =	vmul.f32 $6.400000000e+01, v1;
	_ =	sdelay $0x1  }
0xb9: {  	s29 =	sadd.s32 $0x80, s29;
	[tilespmem:s25+$0x30] =	vst v1  }
0xba: {  	v1 =	vld [tilespmem:$0x9C80]  }
0xbb: {  	v2 =	vld [tilespmem:$0x9C90];
	_ =	sdelay $0x3  }
0xbc: {  	v1 =	vmul.f32 $6.400000000e+01, v1  }
0xbd: {  	s25 =	smulhi.u32 $0x66666667, s26;
	v2 =	vmul.f32 $6.400000000e+01, v2  }
0xbe: {  	[tilespmem:$0x13980] =	vst v1  }
0xbf: {  	s25 =	sshrl.u32 s25, $0x1;
	[tilespmem:$0x13990] =	vst v2  }
0xc0: {  	v1 =	vld.idx.msk [tilespmem:v0+s25+$0x0 ss:$0x1], $0xffff;
	_ =	sdelay $0x4  }
0xc1: {  	(v2sf) =	vpush v1, $0x0;
	_ =	sdelay $0xa  }
0xc2: {  	s25 =	smul.u32 $0xFFFFFFFB, s25;
	_ =	sdelay $0x1  }
0xc3: {  	s25 =	sadd.s32 s26, s25  }
0xc4: {  	s25 =	smul.u32 $0xFFFFB1E0, s25  }
0xc5: {  	s26 =	spop (v2sf)  }
0xc6: {  	s25 =	sadd.s32 s25, s26  }
0xc7: {  	p0 =	sgt.u32 s25, $0x4E1F  }
0xc8: {  	s26 =	sand.u32 @!p0 $0xF, s26  }
0xc9: {  	p2 =	seq.s32 @!p0 s25, $0x0;
	p3 =	sne.s32 @!p0 s26, $0x0  }
0xca: {  	p2 =	por @!p0 !p2, !p3  }
0xcb: {  	p2 =	por @!p0 !p2, !p2  }
0xcc: {  	s26 =	simm.s32 @!p0 $0xFFFFFFFF;
	p2 =	por !p2, p0  }
0xcd: {  	s26 =	simm.s32 @p2 $0x0  }
0xce: {  	s26 =	sshll.u32 @!p0 s26, $0x4  }
0xcf: {  	s26 =	sadd.s32 @!p0 s25, s26  }
0xd0: {  	s26 =	sand.u32 @!p0 $0xFFFFFFF0, s26  }
0xd1: {  	v1 =	vld @!p0 [tilespmem:s26+$0xEB80]  }
0xd2: {  	s25 =	ssub.s32 @!p0 s25, s26  }
0xd3: {  	v3 =	vlaneseq.u32 @!p0;
	v2 =	vmov @!p0 s25  }
0xd4: {  	vm0 =	veq.s32 @!p0 v2, v3;
	v2 =	vimm.f32 @!p0 $0.0e+00  }
.Ltmp4:
0xd5: {  	v2 =	vsel @!p0 vm0, $0x41CCCCCD, v2;
	(pc) =	sbr.rel @p1 .LBB2_8-.Ltmp4, $4  }
0xd6: {  	s24 =	sadd.s32 s5, s24;
	v1 =	vsub.f32 @!p0 v1, v2  }
0xd7: {  	s24 =	sshrl.u32 s24, $0x3  }
0xd8: {  	s24 =	sadd.s32 s4, s24;
	[tilespmem:s26+$0xEB80] =	vst @!p0 v1  }
0xd9: {  	[hbm4b:s24+s3] =	stream.linear.scatter [tilespmem:s18], [sflag:$0x4], $0x4E20, $0x38;
	[tilespmem:$0x13A80] =	vst v63  }
.Ltmp5:
0xda: {  	(pc) =	sbr.rel .LBB2_2-.Ltmp5, $4  }
0xdb: {  	s23 =	sadd.s32 s23, s10  }
0xdc: {  	s23 =	sshrl.u32 s23, $0x3  }
0xdd: {  	s22 =	sadd.s32 $0x1, s22;
	s23 =	sadd.s32 s1, s23  }
0xde: {  	[tilespmem:s14], [sflag:$0x2] =	stream.linear.gather [hbm4b:s23+s3], $0x4E20, $0x38;
	[tilespmem:$0x13A80] =	vst v63  }
.LBB2_9:
0xdf: {  	_ =	sfence.sel $0x180000  }
0xe0: {  	[bflag:$0x0] =	sbarrier.arrive $0xFFFF  }
0xe1: {  	p0 =	sne.s32 s0, $0x0;
	_ =	strace $0x90000047  }
0xe2: {  	s0 =	sadd.s32 @!p0 $0x100000, s2;
	[bflag:$0x2] =	sbarrier.arrive $0xFFFF  }
0xe3: {  	[sflag:s0] =	ssyncadd.tile.s32 @!p0 $0x1;
	_ =	shalt  }
.Lfunc_end2:
_tile_overlayer_lowered:
.L_overlay_start_2:
0xe4: {  	(tag) =	ssettag $0x2  }
0xe5: {  	s0 =	rddreg [dreg:$0x0];
	s2 =	stileid.u32  }
0xe6: {  	s1 =	rddreg [dreg:$0x1];
	p0 =	sne.s32 s2, $0x0  }
0xe7: {  	s3 =	rddreg [dreg:$0x2];
	[bflag:$0x3] =	sbarrier.arrive $0xFFFF;
	s2 =	simm.s32 @!p0 $0x1C05  }
0xe8: {  	[timem:s3], [sflag:s2] =	dma.local @!p0 [hbm:s0], s1  }
0xe9: {  	s0 =	simm.s32 @!p0 $0x5  }
0xea: {  	_ =	swait.ge @!p0 [sflag:s0], s1  }
0xeb: {  	s1 =	ssub.s32 @!p0 $0x0, s1;
	[sflag:s0] =	ssyncset.done @!p0 $0x0  }
0xec: {  	[sflag:s0] =	ssyncadd.s32 @!p0 s1  }
0xed: {  	[bflag:$0x3] =	sbarrier.arrive $0xFFFF  }
0xee: {  	_ =	shalt  }

// kernel: sparse-core-data-format-call.cloned.1.call-start
scs
called_computation_lowered:
.L_overlay_start_0:
0x0: {  	s2 =	sld [smem:$0x3FD9]  }
0x1: {  	s3 =	sld [smem:$0x3FFE];
	_ =	sdelay $0x1  }
0x2: {  	s1 =	srdreg.scid  }
0x3: {  	s0 =	sand.u32 $0x1, s1  }
0x4: {  	s18 =	sshll.u32 s0, $0xA;
	s2 =	sadd.s32 s3, s2  }
0x5: {  	s2 =	sadd.s32 s2, s18  }
0x6: {  	[smem:$0x3FC6] =	sst s2  }
0x7: {  	_ = 	snop  }
0x8: {  	s2 =	sld [smem:$0x3FD0];
	(tm) =	ssettm $0x1  }
0x9: {  	s19 =	sld [smem:$0x3FFB];
	_ =	sdelay $0x3  }
0xa: {  	_ =	strace s19  }
0xb: {  	s3 =	sld [smem:$0x3FFC];
	_ =	sdelay $0x3  }
0xc: {  	_ =	strace s3  }
0xd: {  	s3 =	sld [smem:$0x3FFD];
	_ =	sdelay $0x3  }
0xe: {  	_ =	strace s3  }
0xf: {  	_ =	strace $0x8FFFFFFF  }
0x10: {  	s20 =	sld [smem:$0x3FDB];
	_ =	sdelay $0x1  }
0x11: {  	s4 =	simm.s32 $_scs_section_size  }
0x12: {  	s5 =	simm.s32 $_size__tile_overlayer_lowered;
	s6 =	simm.s32 $_tile_overlayer_lowered  }
0x13: {  	s23 =	simm.s32 $0x1BFF;
	s22 =	sshll.u32 s6, $0x1;
	s3 =	sadd.s32 s4, s20  }
0x14: {  	s7 =	simm.s32 $0x0;
	s21 =	sshll.u32 s5, $0x1;
	s5 =	sadd.s32 s22, s3  }
0x15: {  	[timem:s7], [sflag:s23] =	dma.local [hbm:s5], s21  }
0x16: {  	_ =	swait.ge [sflag:s23], s21  }
0x17: {  	s4 =	ssub.s32 $0x0, s21;
	[sflag:s23] =	ssyncset.done $0x0  }
0x18: {  	[sflag:s23] =	ssyncadd.s32 s4;
	_ =	sdelay $0x1  }
0x19: {  	s24 =	simm.s32 $0x1B8B  }
0x1a: {  	_ =	swait.ge [sflag:s24], $0x1  }
0x1b: {  	[sflag:s24] =	ssyncset.done $0x0  }
0x1c: {  	s26 =	simm.s32 $0x1B8E;
	s25 =	sld [smem:$0x3FFE];
	[sflag:s24] =	ssyncadd.s32 $0xFFFFFFFF  }
0x1d: {  	s27 =	simm.s32 $execute0_lowered;
	[smem:$0x3FD2] =	sst s26  }
0x1e: {  	s5 =	sshll.u32 s27, $0x1;
	_ =	strace $0x80000049;
	[dreg:$0x1] =	wrdreg $0xFFFFFFFF  }
0x1f: {  	s28 =	simm.s32 $_size_execute0_lowered;
	s3 =	sadd.s32 s3, s5;
	[dreg:$0x0] =	wrdreg $0x0  }
0x20: {  	s5 =	sshll.u32 s28, $0x1;
	[dreg:$0x2] =	wrdreg s3  }
0x21: {  	[dreg:$0x3] =	wrdreg s5  }
0x22: {  	[dreg:$0x4] =	wrdreg $0xC0  }
0x23: {  	_ =	task [dreg:s7], $0x5FFFF  }
0x24: {  	[dreg:$0x1] =	wrdreg $0xFFFFFFFF  }
0x25: {  	[dreg:$0x0] =	wrdreg $0x60  }
0x26: {  	[dreg:$0x2] =	wrdreg s25  }
0x27: {  	[dreg:$0x3] =	wrdreg s2  }
0x28: {  	[dreg:$0x4] =	wrdreg $0x9  }
0x29: {  	_ =	task.clear_ibuf [dreg:s7], $0x5FFFF;
	_ =	strace $0x90000049  }
0x2a: {  	s29 =	simm.s32 $0x9;
	_ =	strace $0x8000004B  }
0x2b: {  	_ =	swait.ge [sflag:s29], $0x1  }
0x2c: {  	[sflag:s29] =	ssyncadd.s32 $0xFFFFFFFF  }
0x2d: {  	_ =	strace $0x9000004B  }
0x2e: {  	_ =	sfence  }
0x2f: {  	s30 =	sld [smem:$0x0];
	_ =	sdelay $0x2  }
0x30: {  	s31 =	sshll.u32 s1, $0xD;
	s1 =	sshrl.u32 s1, $0x2  }
0x31: {  	s3 =	sand.u32 $0x4000, s31;
	s1 =	sadd.s32 s1, s30  }
0x32: {  	s0 =	sor.u32 s3, s0;
	s1 =	sshll.u32 s1, $0x11  }
0x33: {  	s0 =	sor.u32 s1, s0  }
0x34: {  	s0 =	sadd.s32 $0x8F2B, s0  }
0x35: {  	[sflag:s0] =	ssyncadd.remote.s32 $0x1  }
0x36: {  	_ =	sfence.sel $0xFFFF  }
0x37: {  	[dreg:$0x0] =	wrdreg $0xFFFFFFFF;
	(pc) =	sbr.abs _section_cstart, $3  }
0x38: {  	[dreg:$0x1] =	wrdreg $0xFFFFFFFF  }
0x39: {  	_ =	task.clear_ibuf [dreg:s7], $0x2FFFF;
	_ =	strace $0x9FFFFFFF  }
0x3a: {  	(tm) =	ssettm $0x7FFFFFFF  }
0x3b: {  	_ =	shalt  }
tec
execute0_lowered:
.L_overlay_start_1:
0x0: {  	(tag) =	ssettag $0x1  }
0x1: {  	s0 =	stileid.u32  }
0x2: {  	s2 =	srdreg.scid;
	s7 =	rddreg [dreg:$0x0]  }
0x3: {  	s6 =	simm.s32 $0x1;
	s31 =	simm.s32 $0x2;
	s16 =	simm.s32 $0x0  }
0x4: {  	s9 =	simm.s32 $0x2000;
	s15 =	simm.s32 $0x0;
	s10 =	simm.s32 $0x0  }
0x5: {  	s11 =	simm.s32 $0x0;
	s14 =	simm.s32 $0x0;
	s1 =	sshll.u32 s0, $0x7  }
0x6: {  	s3 =	sshll.u32 s0, $0x4;
	s2 =	sshll.u32 s2, $0x8;
	s1 =	sand.u32 $0x380, s1  }
0x7: {  	s7 =	sadd.s32 $0x1009400, s7;
	s2 =	sor.u32 s3, s2;
	s5 =	ssub.s32 $0x400, s1  }
0x8: {  	s3 =	rddreg [dreg:$0x1];
	s4 =	sand.u32 $0x180, s2;
	s29 =	sand.u32 $0x380, s5  }
0x9: {  	s30 =	ssub.s32 $0x18680, s4;
	s5 =	sshrl.u32 s5, $0xA;
	p0 =	sne.s32 s29, $0x0  }
.Ltmp0:
0xa: {  	s8 =	sshrl.u32 s30, $0x9;
	s6 =	simm.s32 @!p0 $0x0;
	(pc) =	sbr.rel .LBB1_1-.Ltmp0, $4  }
0xb: {  	s2 =	rddreg [dreg:$0x2];
	s8 =	sadd.s32 $0x1, s8;
	s6 =	sadd.s32 s6, s5  }
0xc: {  	_ =	strace $0x8000004A;
	s5 =	simm.s32 $0x1;
	s6 =	smul.u32 s6, s8  }
0xd: {  	s13 =	smov.u32 s1;
	s12 =	smov.u32 s4;
	[sflag:s5] =	ssyncpa.u1 $0x0  }
0xe: {  	p0 =	por $0x0, $0x0;
	[sflag:s31] =	ssyncpa.u1 $0x0;
	s8 =	sadd.s32 $0x1, s6  }
.LBB1_4:
0xf: {  	s21 =	sshra.s32 s21, $0x2;
	s27 =	sshll.u32 s10, $0xA;
	s22 =	sshll.u32 s11, $0x3  }
0x10: {  	s23 =	sshll.u32 s10, $0x7;
	s24 =	sand.u32 $0x78, s11;
	p1 =	sgt.s32 s10, $0x18620  }
0x11: {  	s25 =	sshra.s32 s10, $0x1F;
	s26 =	sshra.s32 s11, $0x1F;
	s20 =	sadd.s32 s21, s20  }
0x12: {  	v5 =	vld [tilespmem:s18+$0xFFFFFFD0];
	[tilespmem:s19+$0x2040 ss:$0x81] =	vst.msk $0xffff, v4;
	s21 =	sand.u32 $0xFFFFE000, s27;
	s22 =	sand.u32 $0xFFFFFC00, s22;
	s28 =	sand.u32 $0x380, s23  }
0x13: {  	v58 =	vld [tilespmem:s18+$0xFFFFFFE0];
	[tilespmem:s19+$0x2850 ss:$0x81] =	vst.msk $0xffff, v3;
	s23 =	smov.u32 s10;
	s30 =	sand.u32 s25, s10;
	s25 =	smov.u32 s11  }
0x14: {  	v59 =	vld [tilespmem:s18+$0xFFFFFFF0];
	[tilespmem:s19+$0x3060 ss:$0x81] =	vst.msk $0xffff, v2;
	s31 =	sand.u32 s26, s11;
	s21 =	sadd.s32 s22, s21;
	s22 =	sor.u32 s24, s28  }
0x15: {  	v60 =	vld [tilespmem:s18+$0x0];
	[tilespmem:s19+$0x0 ss:$0x81] =	vst.msk $0xffff, v1;
	s23 =	simm.s32 @!p1 $0x18620;
	p1 =	sgt.s32 s11, $0x380;
	s21 =	sshrl.u32 s21, $0xA  }
0x16: {  	v61 =	vld [tilespmem:s18+$0x10];
	[tilespmem:s20+$0x3870 ss:$0x81] =	vst.msk $0xffff, v0;
	s19 =	ssub.s32 s23, s30;
	s25 =	simm.s32 @!p1 $0x380;
	s29 =	smulhi.u32 $0x53E2D7, s21  }
0x17: {  	v62 =	vld [tilespmem:s18+$0x20];
	s23 =	ssub.s32 s25, s31;
	s26 =	sadd.s32 $0xFFFE79E0, s19;
	s19 =	ssub.s32 $0x186A0, s19;
	[tilespmem:s20+$0x810 ss:$0x81] =	vst.msk $0xffff, v5  }
0x18: {  	v63 =	vld [tilespmem:s18+$0xFFFFFFC0];
	[tilespmem:s20+$0x1020 ss:$0x81] =	vst.msk $0xffff, v58;
	p1 =	sgt.s32 s26, $0x7F;
	s28 =	sadd.s32 $0xFFFFFC80, s23;
	s24 =	sshrl.u32 s29, $0x7  }
0x19: {  	[tilespmem:s20+$0x1830 ss:$0x81] =	vst.msk $0xffff, v59;
	s23 =	ssub.s32 $0x400, s23;
	p2 =	sgt.s32 s28, $0x7F;
	s27 =	smul.u32 $0x186A0, s24  }
0x1a: {  	s30 =	sand.u32 $0x7, s11;
	[tilespmem:s20+$0x2040 ss:$0x81] =	vst.msk $0xffff, v60;
	s19 =	simm.s32 @p1 $0x0;
	s23 =	simm.s32 @p2 $0x0  }
0x1b: {  	[tilespmem:s20+$0x2850 ss:$0x81] =	vst.msk $0xffff, v61;
	s29 =	sshrl.u32 s22, $0x3;
	s19 =	smul.u32 s23, s19;
	s18 =	ssub.s32 s21, s27  }
0x1c: {  	[tilespmem:s20+$0x3060 ss:$0x81] =	vst.msk $0xffff, v62;
	s22 =	sshll.u32 s30, $0x12;
	s21 =	sadd.s32 s3, s29;
	s18 =	sshll.u32 s18, $0x7  }
0x1d: {  	[tilespmem:s20+$0x0 ss:$0x81] =	vst.msk $0xffff, v63;
	s31 =	sor.u32 $0x400, s22;
	s19 =	sand.u32 $0x3FFFFFFF, s19;
	s18 =	sadd.s32 s18, s21  }
0x1e: {  	[hbm4b:s18+s31] =	stream.strided.scatter [tilespmem:s17], [sflag:$0x2], s19, s9, s31, $0x20;
	[tilespmem:$0x10100] =	vst v63  }
.LBB1_5:
0x1f: {  	p1 =	slt.u32 s14, $0x2  }
0x20: {  	s18 =	smov.u32 s16;
	p2 =	sgt.s32 @!p1 s16, $0x18620;
	s17 =	sshra.s32 @!p1 s16, $0x1F  }
0x21: {  	p3 =	sgt.s32 @!p1 s15, $0x380;
	s19 =	sshra.s32 @!p1 s15, $0x1F;
	p2 =	por !p2, p1  }
0x22: {  	s16 =	sand.u32 @!p1 s17, s16;
	p3 =	por !p3, p1;
	s17 =	smov.u32 s15  }
0x23: {  	s15 =	sand.u32 @!p1 s19, s15;
	s18 =	simm.s32 @p2 $0x18620;
	s17 =	simm.s32 @p3 $0x380  }
0x24: {  	s16 =	ssub.s32 @!p1 s18, s16;
	s15 =	ssub.s32 @!p1 s17, s15  }
0x25: {  	s19 =	smov.u32 s13;
	s17 =	sadd.s32 @!p1 $0xFFFE79E0, s16;
	s18 =	sadd.s32 @!p1 $0xFFFFFC80, s15  }
0x26: {  	s16 =	ssub.s32 @!p1 $0x186A0, s16;
	p2 =	sgt.s32 @!p1 s17, $0x7F;
	p3 =	sgt.s32 @!p1 s18, $0x7F  }
0x27: {  	s15 =	ssub.s32 @!p1 $0x400, s15;
	p2 =	por !p2, p1;
	p3 =	por !p3, p1  }
0x28: {  	s17 =	sadd.s32 $0x200, s12;
	s16 =	simm.s32 @!p2 $0x0;
	s15 =	simm.s32 @!p3 $0x0  }
0x29: {  	p2 =	sgt.s32 s17, $0x1869F;
	s15 =	smul.u32 @!p1 s15, s16;
	s16 =	sadd.s32 $0x400, s13  }
0x2a: {  	s19 =	smov.u32 @p2 s16  }
0x2b: {  	s17 =	smov.u32 @p2 s4;
	p2 =	sgt.s32 s19, $0x3FF  }
0x2c: {  	s19 =	smov.u32 @p2 s1;
	p2 =	sne.s32 s14, s8  }
.Ltmp1:
0x2d: {  	p0 =	por !p0, !p0;
	s18 =	simm.s32 @!p1 $0x2;
	(pc) =	sbr.rel @!p2 .LBB1_6-.Ltmp1, $4  }
0x2e: {  	s16 =	smov.u32 s10;
	s10 =	smov.u32 s12;
	s15 =	sand.u32 @!p1 $0x3FFFFFFF, s15  }
0x2f: {  	s12 =	smov.u32 s17;
	_ =	swait.ge @!p1 [sflag:s18], s15;
	s20 =	ssub.s32 @!p1 $0x0, s15  }
0x30: {  	s15 =	smov.u32 s11;
	s14 =	sadd.s32 $0x1, s14;
	[sflag:s18] =	ssyncset.done @!p1 $0x0  }
0x31: {  	s11 =	smov.u32 s13;
	s13 =	smov.u32 s19;
	[sflag:s18] =	ssyncadd.s32 @!p1 s20  }
.LBB1_1:
0x32: {  	p1 =	sge.u32 s14, s6  }
0x33: {  	s17 =	sshrl.u32 @!p1 s13, $0x3  }
0x34: {  	s18 =	sshll.u32 @!p1 s12, $0x3;
	s17 =	smul.u32 @!p1 $0xC3800, s17  }
0x35: {  	s19 =	sshll.u32 @!p1 s13, $0x7;
	s18 =	sand.u32 @!p1 $0xFFFFFC00, s18  }
0x36: {  	s17 =	sadd.s32 @!p1 s17, s18;
	s18 =	sand.u32 @!p1 $0x380, s19  }
0x37: {  	s19 =	sand.u32 @!p1 $0x7F, s12;
	s17 =	sor.u32 @!p1 s18, s17  }
0x38: {  	s18 =	sor.u32 @!p1 s19, s17  }
0x39: {  	s19 =	smulhi.u32 @!p1 $0xA79C7B17, s18;
	_ =	sdelay $0x1  }
0x3a: {  	s17 =	smulhi.u32 @!p1 $0xA79C7B17, s17;
	s19 =	sshrl.u32 @!p1 s19, $0x10  }
0x3b: {  	s19 =	smul.u32 @!p1 $0x18700, s19  }
0x3c: {  	s31 =	sadd.s32 $0xFFFFFFFF, s14;
	s20 =	sxor.u32 @!p1 $0xFFFFFFFF, s14;
	s17 =	sshrl.u32 @!p1 s17, $0x10  }
0x3d: {  	s20 =	sshll.u32 @!p1 s20, $0xE;
	s17 =	sand.u32 @!p1 $0x3FF, s17;
	s18 =	ssub.s32 @!p1 s18, s19  }
0x3e: {  	s17 =	smul.u32 @!p1 $0x30E0, s17;
	s19 =	sshrl.u32 @!p1 s18, $0x3;
	s18 =	sand.u32 @!p1 $0x7, s18  }
0x3f: {  	s20 =	sand.u32 @!p1 $0x4000, s20;
	s19 =	sadd.s32 @!p1 s7, s19;
	s18 =	sshll.u32 @!p1 s18, $0x12  }
0x40: {  	s17 =	sadd.s32 @!p1 s17, s19;
	s18 =	sor.u32 @!p1 $0x400, s18;
	s19 =	simm.s32 @!p1 $0xC3800  }
0x41: {  	[tilespmem:s20], [sflag:$0x1] =	stream.strided.gather @!p1 [hbm4b:s17+s18], $0x4000, s19, s18, $0x38;
	[tilespmem:$0x10100] =	vst v63  }
0x42: {  	p1 =	sge.u32 s31, s6  }
.Ltmp2:
0x43: {  	_ = 	snop;
	(pc) =	sbr.rel @p1 .LBB1_5-.Ltmp2, $1  }
0x44: {  	_ =	sdelay $0x3  }
0x45: {  	s17 =	simm.s32 $0x1  }
0x46: {  	_ =	swait.ge [sflag:s5], $0x4000;
	s17 =	simm.s32 @!p0 $0x0  }
0x47: {  	[sflag:s5] =	ssyncset.done $0x0;
	s18 =	sshll.u32 s17, $0xE  }
0x48: {  	[sflag:s5] =	ssyncadd.s32 $0xFFFFC000;
	s18 =	sor.u32 $0x40, s18  }
0x49: {  	s17 =	smul.u32 $0x10200, s17;
	v0 =	vld [tilespmem:s18+$0x30]  }
0x4a: {  	v1 =	vld [tilespmem:s18+$0xFFFFFFD0]  }
0x4b: {  	s17 =	sshrl.u32 s17, $0x2;
	v5 =	vld [tilespmem:s18+$0xFFFFFFE0]  }
0x4c: {  	v6 =	vld [tilespmem:s18+$0xFFFFFFF0];
	s20 =	sor.u32 $0x8000, s17  }
0x4d: {  	s31 =	sand.u32 $0x1, s14;
	v4 =	vld [tilespmem:s18+$0x0];
	s19 =	sadd.s32 $0x0, s20  }
0x4e: {  	v3 =	vld [tilespmem:s18+$0x10];
	s17 =	smul.u32 $0x10200, s31;
	[tilespmem:s19+$0x3870 ss:$0x81] =	vst.msk $0xffff, v0  }
0x4f: {  	v2 =	vld [tilespmem:s18+$0x20];
	[tilespmem:s19+$0x810 ss:$0x81] =	vst.msk $0xffff, v1  }
0x50: {  	s17 =	sshrl.u32 s17, $0x2;
	v1 =	vld [tilespmem:s18+$0xFFFFFFC0];
	[tilespmem:s19+$0x1020 ss:$0x81] =	vst.msk $0xffff, v5;
	s18 =	sadd.s32 $0x80, s18  }
0x51: {  	s21 =	simm.s32 $0x4;
	s22 =	simm.s32 $0x8;
	s17 =	sor.u32 $0x8000, s17;
	[tilespmem:s19+$0x1830 ss:$0x81] =	vst.msk $0xffff, v6;
	v0 =	vld [tilespmem:s18+$0x30]  }
.LBB1_3:
0x52: {  	p1 =	sne.s32 s22, $0x1FC;
	v5 =	vld [tilespmem:s18+$0xFFFFFFD0];
	[tilespmem:s19+$0x2040 ss:$0x81] =	vst.msk $0xffff, v4  }
0x53: {  	v6 =	vld [tilespmem:s18+$0xFFFFFFE0];
	[tilespmem:s19+$0x2850 ss:$0x81] =	vst.msk $0xffff, v3  }
0x54: {  	s23 =	sshra.s32 s21, $0x2;
	s21 =	smov.u32 s22;
	v7 =	vld [tilespmem:s18+$0xFFFFFFF0];
	[tilespmem:s19+$0x3060 ss:$0x81] =	vst.msk $0xffff, v2  }
.Ltmp3:
0x55: {  	v4 =	vld [tilespmem:s18+$0x0];
	[tilespmem:s19+$0x0 ss:$0x81] =	vst.msk $0xffff, v1;
	s19 =	sadd.s32 s23, s20;
	(pc) =	sbr.rel @p1 .LBB1_3-.Ltmp3, $4  }
0x56: {  	v3 =	vld [tilespmem:s18+$0x10];
	[tilespmem:s19+$0x3870 ss:$0x81] =	vst.msk $0xffff, v0  }
0x57: {  	[tilespmem:s19+$0x810 ss:$0x81] =	vst.msk $0xffff, v5;
	v2 =	vld [tilespmem:s18+$0x20]  }
0x58: {  	v1 =	vld [tilespmem:s18+$0xFFFFFFC0];
	[tilespmem:s19+$0x1020 ss:$0x81] =	vst.msk $0xffff, v6;
	s18 =	sadd.s32 $0x80, s18  }
0x59: {  	s22 =	sadd.s32 $0x4, s22;
	v0 =	vld [tilespmem:s18+$0x30];
	[tilespmem:s19+$0x1830 ss:$0x81] =	vst.msk $0xffff, v7  }
.Ltmp4:
0x5a: {  	_ = 	snop;
	(pc) =	sbr.rel .LBB1_4-.Ltmp4, $1  }
0x5b: {  	_ =	sdelay $0x3  }
.LBB1_6:
0x5c: {  	_ =	sfence.sel $0x180000  }
0x5d: {  	s1 =	simm.s32 $0x1;
	[bflag:$0x0] =	sbarrier.arrive $0xFFFF  }
0x5e: {  	s31 =	simm.s32 $0x2;
	[sflag:s1] =	ssyncpa.u1 $0x1  }
0x5f: {  	[sflag:s31] =	ssyncpa.u1 $0x1  }
0x60: {  	p0 =	sne.s32 s0, $0x0;
	_ =	strace $0x9000004A  }
0x61: {  	s0 =	sadd.s32 @!p0 $0x100000, s2;
	[bflag:$0x2] =	sbarrier.arrive $0xFFFF  }
0x62: {  	[sflag:s0] =	ssyncadd.tile.s32 @!p0 $0x1;
	_ =	shalt  }
.Lfunc_end1:
_tile_overlayer_lowered:
.L_overlay_start_2:
0x63: {  	(tag) =	ssettag $0x2  }
0x64: {  	s0 =	rddreg [dreg:$0x0];
	s2 =	stileid.u32  }
0x65: {  	s1 =	rddreg [dreg:$0x1];
	p0 =	sne.s32 s2, $0x0  }
0x66: {  	s3 =	rddreg [dreg:$0x2];
	[bflag:$0x3] =	sbarrier.arrive $0xFFFF;
	s2 =	simm.s32 @!p0 $0x1C01  }
0x67: {  	[timem:s3], [sflag:s2] =	dma.local @!p0 [hbm:s0], s1  }
0x68: {  	s0 =	simm.s32 @!p0 $0x1  }
0x69: {  	_ =	swait.ge @!p0 [sflag:s0], s1  }
0x6a: {  	s1 =	ssub.s32 @!p0 $0x0, s1;
	[sflag:s0] =	ssyncset.done @!p0 $0x0  }
0x6b: {  	[sflag:s0] =	ssyncadd.s32 @!p0 s1  }
0x6c: {  	[bflag:$0x3] =	sbarrier.arrive $0xFFFF  }
0x6d: {  	_ =	shalt  }

</sc_bundles>
